<compile_context>
chip_gen: v7x
topology: tpu7x:2x2x1
jax: 0.10.2.dev20260603
libtpu: 0.0.44.dev20260713+nightly
codegen_flags: <defaults>
</compile_context>

<pallas_src>
import math

import jax
import jax.numpy as jnp
from jax import lax
from jax.experimental import pallas as pl
from jax.experimental.pallas import tpu as pltpu
from jax.experimental.pallas import tpu_sc as plsc

T = 32768
D_FEAT = 32
K = 16
NW = 16
T_SC = 2048
CHUNK = T_SC // NW
DB = 16
TC_BLOCK = 6144
LOG2PI = math.log(2.0 * math.pi)


def _sc_body(x_hbm, mu_t_hbm, ls_t_hbm, out_hbm, x_v, out_v, s_v, m_v):
    wid = lax.axis_index("s")
    base = wid * CHUNK

    pltpu.sync_copy(x_hbm.at[pl.ds(base * D_FEAT, CHUNK * D_FEAT)], x_v)
    pltpu.sync_copy(mu_t_hbm, m_v)
    pltpu.sync_copy(ls_t_hbm, s_v)

    c = jnp.full((K,), -0.5 * D_FEAT * LOG2PI, jnp.float32)
    for d in range(D_FEAT):
        mu = m_v[pl.ds(d * K, K)]
        ls = s_v[pl.ds(d * K, K)]
        s = jnp.exp(-ls)
        c = c - ls
        s_v[pl.ds(d * K, K)] = s
        m_v[pl.ds(d * K, K)] = mu * s

    dn = lax.GatherDimensionNumbers(
        offset_dims=(), collapsed_slice_dims=(0,), start_index_map=(0,))
    idxs = [jnp.full((16, 1), j, jnp.int32) for j in range(16)]

    def _bcast(vec, j):
        return lax.gather(vec, idxs[j], dn, slice_sizes=(1,),
                          mode=lax.GatherScatterMode.PROMISE_IN_BOUNDS)

    num_blocks = D_FEAT // DB
    for db in range(num_blocks):
        s_w = [s_v[pl.ds((db * DB + j) * K, K)] for j in range(DB)]
        m_w = [m_v[pl.ds((db * DB + j) * K, K)] for j in range(DB)]
        half = (db * DB // 16) * 16
        off = db * DB - half

        @plsc.parallel_loop(0, CHUNK, 1, unroll=2)
        def _token_body(t, _db=db, _s=s_w, _m=m_w, _half=half, _off=off):
            xv = x_v[pl.ds(t * D_FEAT + _half, 16)]
            if _db == 0:
                acc_a = jnp.zeros((K,), jnp.float32)
            else:
                acc_a = out_v[pl.ds(t * K, K)]
            acc_b = jnp.zeros((K,), jnp.float32)
            for j in range(0, DB, 2):
                z0 = _bcast(xv, _off + j) * _s[j] - _m[j]
                acc_a = acc_a + z0 * z0
                z1 = _bcast(xv, _off + j + 1) * _s[j + 1] - _m[j + 1]
                acc_b = acc_b + z1 * z1
            acc = acc_a + acc_b
            if _db == num_blocks - 1:
                acc = c - 0.5 * acc
            out_v[pl.ds(t * K, K)] = acc

    pltpu.sync_copy(out_v, out_hbm.at[pl.ds(base * K, CHUNK * K)])


def _sc_log_probs(X_sc, means, log_scales):
    mesh = plsc.VectorSubcoreMesh(
        core_axis_name="c", subcore_axis_name="s", num_cores=1)
    run = pl.kernel(
        _sc_body,
        out_type=jax.ShapeDtypeStruct((T_SC * K,), jnp.float32),
        mesh=mesh,
        scratch_types=[
            pltpu.VMEM((CHUNK * D_FEAT,), jnp.float32),
            pltpu.VMEM((CHUNK * K,), jnp.float32),
            pltpu.VMEM((D_FEAT * K,), jnp.float32),
            pltpu.VMEM((D_FEAT * K,), jnp.float32),
        ],
    )
    out = run(X_sc.reshape(-1), means.T.reshape(-1), log_scales.T.reshape(-1))
    return out.reshape(T_SC, K)


def _tc_body(x_ref, mu_ref, ls_ref, o_ref):
    mu = mu_ref[...]
    ls = ls_ref[...]
    iv = jnp.exp(-2.0 * ls)
    c = (jnp.sum(-0.5 * mu * mu * iv - ls, axis=1)
         - 0.5 * D_FEAT * LOG2PI)
    x = x_ref[...]
    w1 = mu * iv
    w2 = -0.5 * iv
    o_ref[...] = (
        jax.lax.dot_general(x, w1, (((1,), (1,)), ((), ())),
                            preferred_element_type=jnp.float32)
        + jax.lax.dot_general(x * x, w2, (((1,), (1,)), ((), ())),
                              preferred_element_type=jnp.float32)
        + c[None, :])


def _tc_log_probs(X_tc, means, log_scales):
    t_tc = X_tc.shape[0]
    return pl.pallas_call(
        _tc_body,
        grid=(t_tc // TC_BLOCK,),
        in_specs=[
            pl.BlockSpec((TC_BLOCK, D_FEAT), lambda i: (i, 0)),
            pl.BlockSpec((K, D_FEAT), lambda i: (0, 0)),
            pl.BlockSpec((K, D_FEAT), lambda i: (0, 0)),
        ],
        out_specs=pl.BlockSpec((TC_BLOCK, K), lambda i: (i, 0)),
        out_shape=jax.ShapeDtypeStruct((t_tc, K), jnp.float32),
    )(X_tc, means, log_scales)


@jax.jit
def _emission_log_probs(X, means, log_scales):
    out_sc = _sc_log_probs(X[:T_SC], means, log_scales)
    out_tc = _tc_log_probs(X[T_SC:], means, log_scales)
    return jnp.concatenate([out_sc, out_tc], axis=0)


def kernel(X, cu_seqlens, means, log_scales, pi_logits, A_logits, D_logits):
    return _emission_log_probs(
        X.astype(jnp.float32),
        means.astype(jnp.float32),
        log_scales.astype(jnp.float32),
    )

# --- scband reference (transcript-rebuilt; emitter-appended) ---
"""Pipeline reference for scband-base-hsmm-29042568856294 (READ-ONLY COPY).

The authoritative reference and input builder live on the scoring server;
editing this copy changes nothing except your own understanding.
"""

import jax, jax.numpy as jnp
import numpy as np

T = 32768
D_FEAT = 32
K = 16
DMAX = 200
B = 16

def setup_inputs(seed: int = 0) -> dict:
    key = jax.random.key(seed)
    ks = jax.random.split(key, 6)
    # flat ragged observation tensor (16 sequences, 2048 tokens each)
    X = jax.random.normal(ks[0], (T, D_FEAT), dtype=jnp.float32)
    cu_seqlens = jnp.arange(B + 1, dtype=jnp.int32) * (T // B)
    # emission pdf params: diagonal Gaussian per hidden state
    means = jax.random.normal(ks[1], (K, D_FEAT), dtype=jnp.float32) * 0.5
    log_scales = jax.random.normal(ks[2], (K, D_FEAT), dtype=jnp.float32) * 0.1
    # HSMM structural params (sampled in sample_model_params)
    pi_logits = jax.nn.log_softmax(jax.random.normal(ks[3], (K,), dtype=jnp.float32))
    A_raw = jax.random.normal(ks[4], (K, K), dtype=jnp.float32)
    A_raw = jnp.where(jnp.eye(K, dtype=bool), -1e9, A_raw)  # semi-Markov: no self-transitions
    A_logits = jax.nn.log_softmax(A_raw, axis=1)
    D_logits = jax.nn.log_softmax(jax.random.normal(ks[5], (K, DMAX), dtype=jnp.float32), axis=1)
    return {"X": X, "cu_seqlens": cu_seqlens, "means": means, "log_scales": log_scales,
            "pi_logits": pi_logits, "A_logits": A_logits, "D_logits": D_logits}

def reference(X, cu_seqlens, means, log_scales, pi_logits, A_logits, D_logits):
    # Faithful translation of BaseHSMM.to_observations -> map_emission over the
    # flat ragged token stream. cu_seqlens defines the ragged split boundaries
    # (torch.nested nesting); the emission log-prob values are identical for the
    # flat layout, so we compute them once over all total_tokens.
    x = X.astype(jnp.float32)[:, None, :]            # [T, 1, d]
    mu = means[None, :, :]                           # [1, K, d]
    ls = log_scales[None, :, :]                      # [1, K, d]
    z = (x - mu) * jnp.exp(-ls)
    # diagonal Gaussian log_prob summed over event dim -> [T, K]
    log_probs = jnp.sum(-0.5 * z * z - ls - 0.5 * jnp.log(2.0 * jnp.pi), axis=-1)
    return log_probs

if __name__ == "__main__":
    import jax
    _d = setup_inputs()
    print(jax.jit(kernel)(*tuple(_d.values())))

</pallas_src>

<mosaic_0001>
#map = affine_map<(d0, d1) -> (0)>
module attributes {stable_mosaic.version = 14 : i64} {
  func.func @_sc_body(%arg0: i32, %arg1: i32, %arg2: memref<65536xf32, #tpu.memory_space<hbm>>, %arg3: memref<512xf32, #tpu.memory_space<hbm>>, %arg4: memref<512xf32, #tpu.memory_space<hbm>>, %arg5: memref<32768xf32, #tpu.memory_space<hbm>>, %arg6: memref<4096xf32, #tpu.memory_space<vmem>>, %arg7: memref<2048xf32, #tpu.memory_space<vmem>>, %arg8: memref<512xf32, #tpu.memory_space<vmem>>, %arg9: memref<512xf32, #tpu.memory_space<vmem>>) attributes {dimension_semantics = [#tpu.dimension_semantics<core_parallel>, #tpu.dimension_semantics<subcore_parallel>], iteration_bounds = array<i64: 1, 16>, scalar_prefetch = 0 : i64, scratch_operands = 4 : i64, tpu.core_type = #tpu.core_type<sc_vector_subcore>, window_params = [{transform_indices = #map}, {transform_indices = #map}, {transform_indices = #map}, {transform_indices = #map}]} {
    %mul3A = arith.constant 128 : i32
    %mul3A_0 = arith.muli %arg1, %mul3A : i32
    %mul3A_1 = arith.constant 32 : i32
    %mul3A_2 = arith.muli %mul3A_0, %mul3A_1 : i32
    "tpu.region"() ({
      %run_scoped3A = tpu.sem_alloc : memref<!tpu.dma_semaphore, #tpu.memory_space<semaphore_mem>>
      %dma_start3A = tpu.memref_slice %arg2[%mul3A_2] : memref<65536xf32, #tpu.memory_space<hbm>> -> memref<4096xf32, #tpu.memory_space<hbm>>
      %dma_start3A_870 = tpu.memref_slice %arg2[%mul3A_2] : memref<65536xf32, #tpu.memory_space<hbm>> -> memref<4096xf32, #tpu.memory_space<hbm>>
      tpu.enqueue_dma source(%dma_start3A_870 : memref<4096xf32, #tpu.memory_space<hbm>>) target(%arg6 : memref<4096xf32, #tpu.memory_space<vmem>>) target_semaphore(%run_scoped3A : memref<!tpu.dma_semaphore, #tpu.memory_space<semaphore_mem>>)
      %dma_wait3A = tpu.memref_slice %arg2[%mul3A_2] : memref<65536xf32, #tpu.memory_space<hbm>> -> memref<4096xf32, #tpu.memory_space<hbm>>
      %dma_wait3A_871 = tpu.memref_slice %arg2[%mul3A_2] : memref<65536xf32, #tpu.memory_space<hbm>> -> memref<4096xf32, #tpu.memory_space<hbm>>
      tpu.wait_dma2 semaphore(%run_scoped3A : memref<!tpu.dma_semaphore, #tpu.memory_space<semaphore_mem>>) src(%dma_wait3A_871 : memref<4096xf32, #tpu.memory_space<hbm>>) dst(%arg6 : memref<4096xf32, #tpu.memory_space<vmem>>)
      tpu.yield
    }) : () -> ()
    "tpu.region"() ({
      %run_scoped3A = tpu.sem_alloc : memref<!tpu.dma_semaphore, #tpu.memory_space<semaphore_mem>>
      tpu.enqueue_dma source(%arg3 : memref<512xf32, #tpu.memory_space<hbm>>) target(%arg9 : memref<512xf32, #tpu.memory_space<vmem>>) target_semaphore(%run_scoped3A : memref<!tpu.dma_semaphore, #tpu.memory_space<semaphore_mem>>)
      tpu.wait_dma2 semaphore(%run_scoped3A : memref<!tpu.dma_semaphore, #tpu.memory_space<semaphore_mem>>) src(%arg3 : memref<512xf32, #tpu.memory_space<hbm>>) dst(%arg9 : memref<512xf32, #tpu.memory_space<vmem>>)
      tpu.yield
    }) : () -> ()
    "tpu.region"() ({
      %run_scoped3A = tpu.sem_alloc : memref<!tpu.dma_semaphore, #tpu.memory_space<semaphore_mem>>
      tpu.enqueue_dma source(%arg4 : memref<512xf32, #tpu.memory_space<hbm>>) target(%arg8 : memref<512xf32, #tpu.memory_space<vmem>>) target_semaphore(%run_scoped3A : memref<!tpu.dma_semaphore, #tpu.memory_space<semaphore_mem>>)
      tpu.wait_dma2 semaphore(%run_scoped3A : memref<!tpu.dma_semaphore, #tpu.memory_space<semaphore_mem>>) src(%arg4 : memref<512xf32, #tpu.memory_space<hbm>>) dst(%arg8 : memref<512xf32, #tpu.memory_space<vmem>>)
      tpu.yield
    }) : () -> ()
    %broadcast_in_dim3A = arith.constant -29.4060326 : f32
    %broadcast_in_dim3A_3 = vector.broadcast %broadcast_in_dim3A : f32 to vector<16xf32>
    %get3A = arith.constant 0 : index
    %get3A_4 = tpu.vector_load %arg9[%get3A] {strides = array<i32>} : memref<512xf32, #tpu.memory_space<vmem>>, vector<16xf32>,
    %get3A_5 = vector.shape_cast %get3A_4 : vector<16xf32> to vector<16xf32>
    %get3A_6 = arith.constant 0 : index
    %get3A_7 = tpu.vector_load %arg8[%get3A_6] {strides = array<i32>} : memref<512xf32, #tpu.memory_space<vmem>>, vector<16xf32>,
    %get3A_8 = vector.shape_cast %get3A_7 : vector<16xf32> to vector<16xf32>
    %neg3A = arith.constant 0.000000e+00 : f32
    %neg3A_9 = vector.broadcast %neg3A : f32 to vector<16xf32>
    %neg3A_10 = arith.subf %neg3A_9, %get3A_8 : vector<16xf32>
    %exp3A = math.exp %neg3A_10 : vector<16xf32>
    %sub3A = arith.subf %broadcast_in_dim3A_3, %get3A_8 : vector<16xf32>
    %swap3A = arith.constant 0 : index
    %swap3A_11 = tpu.vector_load %arg8[%swap3A] {strides = array<i32>} : memref<512xf32, #tpu.memory_space<vmem>>, vector<16xf32>,
    %swap3A_12 = vector.shape_cast %swap3A_11 : vector<16xf32> to vector<16xf32>
    %swap3A_13 = vector.shape_cast %exp3A : vector<16xf32> to vector<16xf32>
    tpu.vector_store %arg8[%swap3A], %swap3A_13 {strides = array<i32>} : memref<512xf32, #tpu.memory_space<vmem>>, vector<16xf32>,
    %mul3A_14 = arith.mulf %get3A_5, %exp3A : vector<16xf32>
    %swap3A_15 = arith.constant 0 : index
    %swap3A_16 = tpu.vector_load %arg9[%swap3A_15] {strides = array<i32>} : memref<512xf32, #tpu.memory_space<vmem>>, vector<16xf32>,
    %swap3A_17 = vector.shape_cast %swap3A_16 : vector<16xf32> to vector<16xf32>
    %swap3A_18 = vector.shape_cast %mul3A_14 : vector<16xf32> to vector<16xf32>
    tpu.vector_store %arg9[%swap3A_15], %swap3A_18 {strides = array<i32>} : memref<512xf32, #tpu.memory_space<vmem>>, vector<16xf32>,
    %get3A_19 = arith.constant 16 : index
    %get3A_20 = tpu.vector_load %arg9[%get3A_19] {strides = array<i32>} : memref<512xf32, #tpu.memory_space<vmem>>, vector<16xf32>,
    %get3A_21 = vector.shape_cast %get3A_20 : vector<16xf32> to vector<16xf32>
    %get3A_22 = arith.constant 16 : index
    %get3A_23 = tpu.vector_load %arg8[%get3A_22] {strides = array<i32>} : memref<512xf32, #tpu.memory_space<vmem>>, vector<16xf32>,
    %get3A_24 = vector.shape_cast %get3A_23 : vector<16xf32> to vector<16xf32>
    %neg3A_25 = arith.constant 0.000000e+00 : f32
    %neg3A_26 = vector.broadcast %neg3A_25 : f32 to vector<16xf32>
    %neg3A_27 = arith.subf %neg3A_26, %get3A_24 : vector<16xf32>
    %exp3A_28 = math.exp %neg3A_27 : vector<16xf32>
    %sub3A_29 = arith.subf %sub3A, %get3A_24 : vector<16xf32>
    %swap3A_30 = arith.constant 16 : index
    %swap3A_31 = tpu.vector_load %arg8[%swap3A_30] {strides = array<i32>} : memref<512xf32, #tpu.memory_space<vmem>>, vector<16xf32>,
    %swap3A_32 = vector.shape_cast %swap3A_31 : vector<16xf32> to vector<16xf32>
    %swap3A_33 = vector.shape_cast %exp3A_28 : vector<16xf32> to vector<16xf32>
    tpu.vector_store %arg8[%swap3A_30], %swap3A_33 {strides = array<i32>} : memref<512xf32, #tpu.memory_space<vmem>>, vector<16xf32>,
    %mul3A_34 = arith.mulf %get3A_21, %exp3A_28 : vector<16xf32>
    %swap3A_35 = arith.constant 16 : index
    %swap3A_36 = tpu.vector_load %arg9[%swap3A_35] {strides = array<i32>} : memref<512xf32, #tpu.memory_space<vmem>>, vector<16xf32>,
    %swap3A_37 = vector.shape_cast %swap3A_36 : vector<16xf32> to vector<16xf32>
    %swap3A_38 = vector.shape_cast %mul3A_34 : vector<16xf32> to vector<16xf32>
    tpu.vector_store %arg9[%swap3A_35], %swap3A_38 {strides = array<i32>} : memref<512xf32, #tpu.memory_space<vmem>>, vector<16xf32>,
    %get3A_39 = arith.constant 32 : index
    %get3A_40 = tpu.vector_load %arg9[%get3A_39] {strides = array<i32>} : memref<512xf32, #tpu.memory_space<vmem>>, vector<16xf32>,
    %get3A_41 = vector.shape_cast %get3A_40 : vector<16xf32> to vector<16xf32>
    %get3A_42 = arith.constant 32 : index
    %get3A_43 = tpu.vector_load %arg8[%get3A_42] {strides = array<i32>} : memref<512xf32, #tpu.memory_space<vmem>>, vector<16xf32>,
    %get3A_44 = vector.shape_cast %get3A_43 : vector<16xf32> to vector<16xf32>
    %neg3A_45 = arith.constant 0.000000e+00 : f32
    %neg3A_46 = vector.broadcast %neg3A_45 : f32 to vector<16xf32>
    %neg3A_47 = arith.subf %neg3A_46, %get3A_44 : vector<16xf32>
    %exp3A_48 = math.exp %neg3A_47 : vector<16xf32>
    %sub3A_49 = arith.subf %sub3A_29, %get3A_44 : vector<16xf32>
    %swap3A_50 = arith.constant 32 : index
    %swap3A_51 = tpu.vector_load %arg8[%swap3A_50] {strides = array<i32>} : memref<512xf32, #tpu.memory_space<vmem>>, vector<16xf32>,
    %swap3A_52 = vector.shape_cast %swap3A_51 : vector<16xf32> to vector<16xf32>
    %swap3A_53 = vector.shape_cast %exp3A_48 : vector<16xf32> to vector<16xf32>
    tpu.vector_store %arg8[%swap3A_50], %swap3A_53 {strides = array<i32>} : memref<512xf32, #tpu.memory_space<vmem>>, vector<16xf32>,
    %mul3A_54 = arith.mulf %get3A_41, %exp3A_48 : vector<16xf32>
    %swap3A_55 = arith.constant 32 : index
    %swap3A_56 = tpu.vector_load %arg9[%swap3A_55] {strides = array<i32>} : memref<512xf32, #tpu.memory_space<vmem>>, vector<16xf32>,
    %swap3A_57 = vector.shape_cast %swap3A_56 : vector<16xf32> to vector<16xf32>
    %swap3A_58 = vector.shape_cast %mul3A_54 : vector<16xf32> to vector<16xf32>
    tpu.vector_store %arg9[%swap3A_55], %swap3A_58 {strides = array<i32>} : memref<512xf32, #tpu.memory_space<vmem>>, vector<16xf32>,
    %get3A_59 = arith.constant 48 : index
    %get3A_60 = tpu.vector_load %arg9[%get3A_59] {strides = array<i32>} : memref<512xf32, #tpu.memory_space<vmem>>, vector<16xf32>,
    %get3A_61 = vector.shape_cast %get3A_60 : vector<16xf32> to vector<16xf32>
    %get3A_62 = arith.constant 48 : index
    %get3A_63 = tpu.vector_load %arg8[%get3A_62] {strides = array<i32>} : memref<512xf32, #tpu.memory_space<vmem>>, vector<16xf32>,
    %get3A_64 = vector.shape_cast %get3A_63 : vector<16xf32> to vector<16xf32>
    %neg3A_65 = arith.constant 0.000000e+00 : f32
    %neg3A_66 = vector.broadcast %neg3A_65 : f32 to vector<16xf32>
    %neg3A_67 = arith.subf %neg3A_66, %get3A_64 : vector<16xf32>
    %exp3A_68 = math.exp %neg3A_67 : vector<16xf32>
    %sub3A_69 = arith.subf %sub3A_49, %get3A_64 : vector<16xf32>
    %swap3A_70 = arith.constant 48 : index
    %swap3A_71 = tpu.vector_load %arg8[%swap3A_70] {strides = array<i32>} : memref<512xf32, #tpu.memory_space<vmem>>, vector<16xf32>,
    %swap3A_72 = vector.shape_cast %swap3A_71 : vector<16xf32> to vector<16xf32>
    %swap3A_73 = vector.shape_cast %exp3A_68 : vector<16xf32> to vector<16xf32>
    tpu.vector_store %arg8[%swap3A_70], %swap3A_73 {strides = array<i32>} : memref<512xf32, #tpu.memory_space<vmem>>, vector<16xf32>,
    %mul3A_74 = arith.mulf %get3A_61, %exp3A_68 : vector<16xf32>
    %swap3A_75 = arith.constant 48 : index
    %swap3A_76 = tpu.vector_load %arg9[%swap3A_75] {strides = array<i32>} : memref<512xf32, #tpu.memory_space<vmem>>, vector<16xf32>,
    %swap3A_77 = vector.shape_cast %swap3A_76 : vector<16xf32> to vector<16xf32>
    %swap3A_78 = vector.shape_cast %mul3A_74 : vector<16xf32> to vector<16xf32>
    tpu.vector_store %arg9[%swap3A_75], %swap3A_78 {strides = array<i32>} : memref<512xf32, #tpu.memory_space<vmem>>, vector<16xf32>,
    %get3A_79 = arith.constant 64 : index
    %get3A_80 = tpu.vector_load %arg9[%get3A_79] {strides = array<i32>} : memref<512xf32, #tpu.memory_space<vmem>>, vector<16xf32>,
    %get3A_81 = vector.shape_cast %get3A_80 : vector<16xf32> to vector<16xf32>
    %get3A_82 = arith.constant 64 : index
    %get3A_83 = tpu.vector_load %arg8[%get3A_82] {strides = array<i32>} : memref<512xf32, #tpu.memory_space<vmem>>, vector<16xf32>,
    %get3A_84 = vector.shape_cast %get3A_83 : vector<16xf32> to vector<16xf32>
    %neg3A_85 = arith.constant 0.000000e+00 : f32
    %neg3A_86 = vector.broadcast %neg3A_85 : f32 to vector<16xf32>
    %neg3A_87 = arith.subf %neg3A_86, %get3A_84 : vector<16xf32>
    %exp3A_88 = math.exp %neg3A_87 : vector<16xf32>
    %sub3A_89 = arith.subf %sub3A_69, %get3A_84 : vector<16xf32>
    %swap3A_90 = arith.constant 64 : index
    %swap3A_91 = tpu.vector_load %arg8[%swap3A_90] {strides = array<i32>} : memref<512xf32, #tpu.memory_space<vmem>>, vector<16xf32>,
    %swap3A_92 = vector.shape_cast %swap3A_91 : vector<16xf32> to vector<16xf32>
    %swap3A_93 = vector.shape_cast %exp3A_88 : vector<16xf32> to vector<16xf32>
    tpu.vector_store %arg8[%swap3A_90], %swap3A_93 {strides = array<i32>} : memref<512xf32, #tpu.memory_space<vmem>>, vector<16xf32>,
    %mul3A_94 = arith.mulf %get3A_81, %exp3A_88 : vector<16xf32>
    %swap3A_95 = arith.constant 64 : index
    %swap3A_96 = tpu.vector_load %arg9[%swap3A_95] {strides = array<i32>} : memref<512xf32, #tpu.memory_space<vmem>>, vector<16xf32>,
    %swap3A_97 = vector.shape_cast %swap3A_96 : vector<16xf32> to vector<16xf32>
    %swap3A_98 = vector.shape_cast %mul3A_94 : vector<16xf32> to vector<16xf32>
    tpu.vector_store %arg9[%swap3A_95], %swap3A_98 {strides = array<i32>} : memref<512xf32, #tpu.memory_space<vmem>>, vector<16xf32>,
    %get3A_99 = arith.constant 80 : index
    %get3A_100 = tpu.vector_load %arg9[%get3A_99] {strides = array<i32>} : memref<512xf32, #tpu.memory_space<vmem>>, vector<16xf32>,
    %get3A_101 = vector.shape_cast %get3A_100 : vector<16xf32> to vector<16xf32>
    %get3A_102 = arith.constant 80 : index
    %get3A_103 = tpu.vector_load %arg8[%get3A_102] {strides = array<i32>} : memref<512xf32, #tpu.memory_space<vmem>>, vector<16xf32>,
    %get3A_104 = vector.shape_cast %get3A_103 : vector<16xf32> to vector<16xf32>
    %neg3A_105 = arith.constant 0.000000e+00 : f32
    %neg3A_106 = vector.broadcast %neg3A_105 : f32 to vector<16xf32>
    %neg3A_107 = arith.subf %neg3A_106, %get3A_104 : vector<16xf32>
    %exp3A_108 = math.exp %neg3A_107 : vector<16xf32>
    %sub3A_109 = arith.subf %sub3A_89, %get3A_104 : vector<16xf32>
    %swap3A_110 = arith.constant 80 : index
    %swap3A_111 = tpu.vector_load %arg8[%swap3A_110] {strides = array<i32>} : memref<512xf32, #tpu.memory_space<vmem>>, vector<16xf32>,
    %swap3A_112 = vector.shape_cast %swap3A_111 : vector<16xf32> to vector<16xf32>
    %swap3A_113 = vector.shape_cast %exp3A_108 : vector<16xf32> to vector<16xf32>
    tpu.vector_store %arg8[%swap3A_110], %swap3A_113 {strides = array<i32>} : memref<512xf32, #tpu.memory_space<vmem>>, vector<16xf32>,
    %mul3A_114 = arith.mulf %get3A_101, %exp3A_108 : vector<16xf32>
    %swap3A_115 = arith.constant 80 : index
    %swap3A_116 = tpu.vector_load %arg9[%swap3A_115] {strides = array<i32>} : memref<512xf32, #tpu.memory_space<vmem>>, vector<16xf32>,
    %swap3A_117 = vector.shape_cast %swap3A_116 : vector<16xf32> to vector<16xf32>
    %swap3A_118 = vector.shape_cast %mul3A_114 : vector<16xf32> to vector<16xf32>
    tpu.vector_store %arg9[%swap3A_115], %swap3A_118 {strides = array<i32>} : memref<512xf32, #tpu.memory_space<vmem>>, vector<16xf32>,
    %get3A_119 = arith.constant 96 : index
    %get3A_120 = tpu.vector_load %arg9[%get3A_119] {strides = array<i32>} : memref<512xf32, #tpu.memory_space<vmem>>, vector<16xf32>,
    %get3A_121 = vector.shape_cast %get3A_120 : vector<16xf32> to vector<16xf32>
    %get3A_122 = arith.constant 96 : index
    %get3A_123 = tpu.vector_load %arg8[%get3A_122] {strides = array<i32>} : memref<512xf32, #tpu.memory_space<vmem>>, vector<16xf32>,
    %get3A_124 = vector.shape_cast %get3A_123 : vector<16xf32> to vector<16xf32>
    %neg3A_125 = arith.constant 0.000000e+00 : f32
    %neg3A_126 = vector.broadcast %neg3A_125 : f32 to vector<16xf32>
    %neg3A_127 = arith.subf %neg3A_126, %get3A_124 : vector<16xf32>
    %exp3A_128 = math.exp %neg3A_127 : vector<16xf32>
    %sub3A_129 = arith.subf %sub3A_109, %get3A_124 : vector<16xf32>
    %swap3A_130 = arith.constant 96 : index
    %swap3A_131 = tpu.vector_load %arg8[%swap3A_130] {strides = array<i32>} : memref<512xf32, #tpu.memory_space<vmem>>, vector<16xf32>,
    %swap3A_132 = vector.shape_cast %swap3A_131 : vector<16xf32> to vector<16xf32>
    %swap3A_133 = vector.shape_cast %exp3A_128 : vector<16xf32> to vector<16xf32>
    tpu.vector_store %arg8[%swap3A_130], %swap3A_133 {strides = array<i32>} : memref<512xf32, #tpu.memory_space<vmem>>, vector<16xf32>,
    %mul3A_134 = arith.mulf %get3A_121, %exp3A_128 : vector<16xf32>
    %swap3A_135 = arith.constant 96 : index
    %swap3A_136 = tpu.vector_load %arg9[%swap3A_135] {strides = array<i32>} : memref<512xf32, #tpu.memory_space<vmem>>, vector<16xf32>,
    %swap3A_137 = vector.shape_cast %swap3A_136 : vector<16xf32> to vector<16xf32>
    %swap3A_138 = vector.shape_cast %mul3A_134 : vector<16xf32> to vector<16xf32>
    tpu.vector_store %arg9[%swap3A_135], %swap3A_138 {strides = array<i32>} : memref<512xf32, #tpu.memory_space<vmem>>, vector<16xf32>,
    %get3A_139 = arith.constant 112 : index
    %get3A_140 = tpu.vector_load %arg9[%get3A_139] {strides = array<i32>} : memref<512xf32, #tpu.memory_space<vmem>>, vector<16xf32>,
    %get3A_141 = vector.shape_cast %get3A_140 : vector<16xf32> to vector<16xf32>
    %get3A_142 = arith.constant 112 : index
    %get3A_143 = tpu.vector_load %arg8[%get3A_142] {strides = array<i32>} : memref<512xf32, #tpu.memory_space<vmem>>, vector<16xf32>,
    %get3A_144 = vector.shape_cast %get3A_143 : vector<16xf32> to vector<16xf32>
    %neg3A_145 = arith.constant 0.000000e+00 : f32
    %neg3A_146 = vector.broadcast %neg3A_145 : f32 to vector<16xf32>
    %neg3A_147 = arith.subf %neg3A_146, %get3A_144 : vector<16xf32>
    %exp3A_148 = math.exp %neg3A_147 : vector<16xf32>
    %sub3A_149 = arith.subf %sub3A_129, %get3A_144 : vector<16xf32>
    %swap3A_150 = arith.constant 112 : index
    %swap3A_151 = tpu.vector_load %arg8[%swap3A_150] {strides = array<i32>} : memref<512xf32, #tpu.memory_space<vmem>>, vector<16xf32>,
    %swap3A_152 = vector.shape_cast %swap3A_151 : vector<16xf32> to vector<16xf32>
    %swap3A_153 = vector.shape_cast %exp3A_148 : vector<16xf32> to vector<16xf32>
    tpu.vector_store %arg8[%swap3A_150], %swap3A_153 {strides = array<i32>} : memref<512xf32, #tpu.memory_space<vmem>>, vector<16xf32>,
    %mul3A_154 = arith.mulf %get3A_141, %exp3A_148 : vector<16xf32>
    %swap3A_155 = arith.constant 112 : index
    %swap3A_156 = tpu.vector_load %arg9[%swap3A_155] {strides = array<i32>} : memref<512xf32, #tpu.memory_space<vmem>>, vector<16xf32>,
    %swap3A_157 = vector.shape_cast %swap3A_156 : vector<16xf32> to vector<16xf32>
    %swap3A_158 = vector.shape_cast %mul3A_154 : vector<16xf32> to vector<16xf32>
    tpu.vector_store %arg9[%swap3A_155], %swap3A_158 {strides = array<i32>} : memref<512xf32, #tpu.memory_space<vmem>>, vector<16xf32>,
    %get3A_159 = arith.constant 128 : index
    %get3A_160 = tpu.vector_load %arg9[%get3A_159] {strides = array<i32>} : memref<512xf32, #tpu.memory_space<vmem>>, vector<16xf32>,
    %get3A_161 = vector.shape_cast %get3A_160 : vector<16xf32> to vector<16xf32>
    %get3A_162 = arith.constant 128 : index
    %get3A_163 = tpu.vector_load %arg8[%get3A_162] {strides = array<i32>} : memref<512xf32, #tpu.memory_space<vmem>>, vector<16xf32>,
    %get3A_164 = vector.shape_cast %get3A_163 : vector<16xf32> to vector<16xf32>
    %neg3A_165 = arith.constant 0.000000e+00 : f32
    %neg3A_166 = vector.broadcast %neg3A_165 : f32 to vector<16xf32>
    %neg3A_167 = arith.subf %neg3A_166, %get3A_164 : vector<16xf32>
    %exp3A_168 = math.exp %neg3A_167 : vector<16xf32>
    %sub3A_169 = arith.subf %sub3A_149, %get3A_164 : vector<16xf32>
    %swap3A_170 = arith.constant 128 : index
    %swap3A_171 = tpu.vector_load %arg8[%swap3A_170] {strides = array<i32>} : memref<512xf32, #tpu.memory_space<vmem>>, vector<16xf32>,
    %swap3A_172 = vector.shape_cast %swap3A_171 : vector<16xf32> to vector<16xf32>
    %swap3A_173 = vector.shape_cast %exp3A_168 : vector<16xf32> to vector<16xf32>
    tpu.vector_store %arg8[%swap3A_170], %swap3A_173 {strides = array<i32>} : memref<512xf32, #tpu.memory_space<vmem>>, vector<16xf32>,
    %mul3A_174 = arith.mulf %get3A_161, %exp3A_168 : vector<16xf32>
    %swap3A_175 = arith.constant 128 : index
    %swap3A_176 = tpu.vector_load %arg9[%swap3A_175] {strides = array<i32>} : memref<512xf32, #tpu.memory_space<vmem>>, vector<16xf32>,
    %swap3A_177 = vector.shape_cast %swap3A_176 : vector<16xf32> to vector<16xf32>
    %swap3A_178 = vector.shape_cast %mul3A_174 : vector<16xf32> to vector<16xf32>
    tpu.vector_store %arg9[%swap3A_175], %swap3A_178 {strides = array<i32>} : memref<512xf32, #tpu.memory_space<vmem>>, vector<16xf32>,
    %get3A_179 = arith.constant 144 : index
    %get3A_180 = tpu.vector_load %arg9[%get3A_179] {strides = array<i32>} : memref<512xf32, #tpu.memory_space<vmem>>, vector<16xf32>,
    %get3A_181 = vector.shape_cast %get3A_180 : vector<16xf32> to vector<16xf32>
    %get3A_182 = arith.constant 144 : index
    %get3A_183 = tpu.vector_load %arg8[%get3A_182] {strides = array<i32>} : memref<512xf32, #tpu.memory_space<vmem>>, vector<16xf32>,
    %get3A_184 = vector.shape_cast %get3A_183 : vector<16xf32> to vector<16xf32>
    %neg3A_185 = arith.constant 0.000000e+00 : f32
    %neg3A_186 = vector.broadcast %neg3A_185 : f32 to vector<16xf32>
    %neg3A_187 = arith.subf %neg3A_186, %get3A_184 : vector<16xf32>
    %exp3A_188 = math.exp %neg3A_187 : vector<16xf32>
    %sub3A_189 = arith.subf %sub3A_169, %get3A_184 : vector<16xf32>
    %swap3A_190 = arith.constant 144 : index
    %swap3A_191 = tpu.vector_load %arg8[%swap3A_190] {strides = array<i32>} : memref<512xf32, #tpu.memory_space<vmem>>, vector<16xf32>,
    %swap3A_192 = vector.shape_cast %swap3A_191 : vector<16xf32> to vector<16xf32>
    %swap3A_193 = vector.shape_cast %exp3A_188 : vector<16xf32> to vector<16xf32>
    tpu.vector_store %arg8[%swap3A_190], %swap3A_193 {strides = array<i32>} : memref<512xf32, #tpu.memory_space<vmem>>, vector<16xf32>,
    %mul3A_194 = arith.mulf %get3A_181, %exp3A_188 : vector<16xf32>
    %swap3A_195 = arith.constant 144 : index
    %swap3A_196 = tpu.vector_load %arg9[%swap3A_195] {strides = array<i32>} : memref<512xf32, #tpu.memory_space<vmem>>, vector<16xf32>,
    %swap3A_197 = vector.shape_cast %swap3A_196 : vector<16xf32> to vector<16xf32>
    %swap3A_198 = vector.shape_cast %mul3A_194 : vector<16xf32> to vector<16xf32>
    tpu.vector_store %arg9[%swap3A_195], %swap3A_198 {strides = array<i32>} : memref<512xf32, #tpu.memory_space<vmem>>, vector<16xf32>,
    %get3A_199 = arith.constant 160 : index
    %get3A_200 = tpu.vector_load %arg9[%get3A_199] {strides = array<i32>} : memref<512xf32, #tpu.memory_space<vmem>>, vector<16xf32>,
    %get3A_201 = vector.shape_cast %get3A_200 : vector<16xf32> to vector<16xf32>
    %get3A_202 = arith.constant 160 : index
    %get3A_203 = tpu.vector_load %arg8[%get3A_202] {strides = array<i32>} : memref<512xf32, #tpu.memory_space<vmem>>, vector<16xf32>,
    %get3A_204 = vector.shape_cast %get3A_203 : vector<16xf32> to vector<16xf32>
    %neg3A_205 = arith.constant 0.000000e+00 : f32
    %neg3A_206 = vector.broadcast %neg3A_205 : f32 to vector<16xf32>
    %neg3A_207 = arith.subf %neg3A_206, %get3A_204 : vector<16xf32>
    %exp3A_208 = math.exp %neg3A_207 : vector<16xf32>
    %sub3A_209 = arith.subf %sub3A_189, %get3A_204 : vector<16xf32>
    %swap3A_210 = arith.constant 160 : index
    %swap3A_211 = tpu.vector_load %arg8[%swap3A_210] {strides = array<i32>} : memref<512xf32, #tpu.memory_space<vmem>>, vector<16xf32>,
    %swap3A_212 = vector.shape_cast %swap3A_211 : vector<16xf32> to vector<16xf32>
    %swap3A_213 = vector.shape_cast %exp3A_208 : vector<16xf32> to vector<16xf32>
    tpu.vector_store %arg8[%swap3A_210], %swap3A_213 {strides = array<i32>} : memref<512xf32, #tpu.memory_space<vmem>>, vector<16xf32>,
    %mul3A_214 = arith.mulf %get3A_201, %exp3A_208 : vector<16xf32>
    %swap3A_215 = arith.constant 160 : index
    %swap3A_216 = tpu.vector_load %arg9[%swap3A_215] {strides = array<i32>} : memref<512xf32, #tpu.memory_space<vmem>>, vector<16xf32>,
    %swap3A_217 = vector.shape_cast %swap3A_216 : vector<16xf32> to vector<16xf32>
    %swap3A_218 = vector.shape_cast %mul3A_214 : vector<16xf32> to vector<16xf32>
    tpu.vector_store %arg9[%swap3A_215], %swap3A_218 {strides = array<i32>} : memref<512xf32, #tpu.memory_space<vmem>>, vector<16xf32>,
    %get3A_219 = arith.constant 176 : index
    %get3A_220 = tpu.vector_load %arg9[%get3A_219] {strides = array<i32>} : memref<512xf32, #tpu.memory_space<vmem>>, vector<16xf32>,
    %get3A_221 = vector.shape_cast %get3A_220 : vector<16xf32> to vector<16xf32>
    %get3A_222 = arith.constant 176 : index
    %get3A_223 = tpu.vector_load %arg8[%get3A_222] {strides = array<i32>} : memref<512xf32, #tpu.memory_space<vmem>>, vector<16xf32>,
    %get3A_224 = vector.shape_cast %get3A_223 : vector<16xf32> to vector<16xf32>
    %neg3A_225 = arith.constant 0.000000e+00 : f32
    %neg3A_226 = vector.broadcast %neg3A_225 : f32 to vector<16xf32>
    %neg3A_227 = arith.subf %neg3A_226, %get3A_224 : vector<16xf32>
    %exp3A_228 = math.exp %neg3A_227 : vector<16xf32>
    %sub3A_229 = arith.subf %sub3A_209, %get3A_224 : vector<16xf32>
    %swap3A_230 = arith.constant 176 : index
    %swap3A_231 = tpu.vector_load %arg8[%swap3A_230] {strides = array<i32>} : memref<512xf32, #tpu.memory_space<vmem>>, vector<16xf32>,
    %swap3A_232 = vector.shape_cast %swap3A_231 : vector<16xf32> to vector<16xf32>
    %swap3A_233 = vector.shape_cast %exp3A_228 : vector<16xf32> to vector<16xf32>
    tpu.vector_store %arg8[%swap3A_230], %swap3A_233 {strides = array<i32>} : memref<512xf32, #tpu.memory_space<vmem>>, vector<16xf32>,
    %mul3A_234 = arith.mulf %get3A_221, %exp3A_228 : vector<16xf32>
    %swap3A_235 = arith.constant 176 : index
    %swap3A_236 = tpu.vector_load %arg9[%swap3A_235] {strides = array<i32>} : memref<512xf32, #tpu.memory_space<vmem>>, vector<16xf32>,
    %swap3A_237 = vector.shape_cast %swap3A_236 : vector<16xf32> to vector<16xf32>
    %swap3A_238 = vector.shape_cast %mul3A_234 : vector<16xf32> to vector<16xf32>
    tpu.vector_store %arg9[%swap3A_235], %swap3A_238 {strides = array<i32>} : memref<512xf32, #tpu.memory_space<vmem>>, vector<16xf32>,
    %get3A_239 = arith.constant 192 : index
    %get3A_240 = tpu.vector_load %arg9[%get3A_239] {strides = array<i32>} : memref<512xf32, #tpu.memory_space<vmem>>, vector<16xf32>,
    %get3A_241 = vector.shape_cast %get3A_240 : vector<16xf32> to vector<16xf32>
    %get3A_242 = arith.constant 192 : index
    %get3A_243 = tpu.vector_load %arg8[%get3A_242] {strides = array<i32>} : memref<512xf32, #tpu.memory_space<vmem>>, vector<16xf32>,
    %get3A_244 = vector.shape_cast %get3A_243 : vector<16xf32> to vector<16xf32>
    %neg3A_245 = arith.constant 0.000000e+00 : f32
    %neg3A_246 = vector.broadcast %neg3A_245 : f32 to vector<16xf32>
    %neg3A_247 = arith.subf %neg3A_246, %get3A_244 : vector<16xf32>
    %exp3A_248 = math.exp %neg3A_247 : vector<16xf32>
    %sub3A_249 = arith.subf %sub3A_229, %get3A_244 : vector<16xf32>
    %swap3A_250 = arith.constant 192 : index
    %swap3A_251 = tpu.vector_load %arg8[%swap3A_250] {strides = array<i32>} : memref<512xf32, #tpu.memory_space<vmem>>, vector<16xf32>,
    %swap3A_252 = vector.shape_cast %swap3A_251 : vector<16xf32> to vector<16xf32>
    %swap3A_253 = vector.shape_cast %exp3A_248 : vector<16xf32> to vector<16xf32>
    tpu.vector_store %arg8[%swap3A_250], %swap3A_253 {strides = array<i32>} : memref<512xf32, #tpu.memory_space<vmem>>, vector<16xf32>,
    %mul3A_254 = arith.mulf %get3A_241, %exp3A_248 : vector<16xf32>
    %swap3A_255 = arith.constant 192 : index
    %swap3A_256 = tpu.vector_load %arg9[%swap3A_255] {strides = array<i32>} : memref<512xf32, #tpu.memory_space<vmem>>, vector<16xf32>,
    %swap3A_257 = vector.shape_cast %swap3A_256 : vector<16xf32> to vector<16xf32>
    %swap3A_258 = vector.shape_cast %mul3A_254 : vector<16xf32> to vector<16xf32>
    tpu.vector_store %arg9[%swap3A_255], %swap3A_258 {strides = array<i32>} : memref<512xf32, #tpu.memory_space<vmem>>, vector<16xf32>,
    %get3A_259 = arith.constant 208 : index
    %get3A_260 = tpu.vector_load %arg9[%get3A_259] {strides = array<i32>} : memref<512xf32, #tpu.memory_space<vmem>>, vector<16xf32>,
    %get3A_261 = vector.shape_cast %get3A_260 : vector<16xf32> to vector<16xf32>
    %get3A_262 = arith.constant 208 : index
    %get3A_263 = tpu.vector_load %arg8[%get3A_262] {strides = array<i32>} : memref<512xf32, #tpu.memory_space<vmem>>, vector<16xf32>,
    %get3A_264 = vector.shape_cast %get3A_263 : vector<16xf32> to vector<16xf32>
    %neg3A_265 = arith.constant 0.000000e+00 : f32
    %neg3A_266 = vector.broadcast %neg3A_265 : f32 to vector<16xf32>
    %neg3A_267 = arith.subf %neg3A_266, %get3A_264 : vector<16xf32>
    %exp3A_268 = math.exp %neg3A_267 : vector<16xf32>
    %sub3A_269 = arith.subf %sub3A_249, %get3A_264 : vector<16xf32>
    %swap3A_270 = arith.constant 208 : index
    %swap3A_271 = tpu.vector_load %arg8[%swap3A_270] {strides = array<i32>} : memref<512xf32, #tpu.memory_space<vmem>>, vector<16xf32>,
    %swap3A_272 = vector.shape_cast %swap3A_271 : vector<16xf32> to vector<16xf32>
    %swap3A_273 = vector.shape_cast %exp3A_268 : vector<16xf32> to vector<16xf32>
    tpu.vector_store %arg8[%swap3A_270], %swap3A_273 {strides = array<i32>} : memref<512xf32, #tpu.memory_space<vmem>>, vector<16xf32>,
    %mul3A_274 = arith.mulf %get3A_261, %exp3A_268 : vector<16xf32>
    %swap3A_275 = arith.constant 208 : index
    %swap3A_276 = tpu.vector_load %arg9[%swap3A_275] {strides = array<i32>} : memref<512xf32, #tpu.memory_space<vmem>>, vector<16xf32>,
    %swap3A_277 = vector.shape_cast %swap3A_276 : vector<16xf32> to vector<16xf32>
    %swap3A_278 = vector.shape_cast %mul3A_274 : vector<16xf32> to vector<16xf32>
    tpu.vector_store %arg9[%swap3A_275], %swap3A_278 {strides = array<i32>} : memref<512xf32, #tpu.memory_space<vmem>>, vector<16xf32>,
    %get3A_279 = arith.constant 224 : index
    %get3A_280 = tpu.vector_load %arg9[%get3A_279] {strides = array<i32>} : memref<512xf32, #tpu.memory_space<vmem>>, vector<16xf32>,
    %get3A_281 = vector.shape_cast %get3A_280 : vector<16xf32> to vector<16xf32>
    %get3A_282 = arith.constant 224 : index
    %get3A_283 = tpu.vector_load %arg8[%get3A_282] {strides = array<i32>} : memref<512xf32, #tpu.memory_space<vmem>>, vector<16xf32>,
    %get3A_284 = vector.shape_cast %get3A_283 : vector<16xf32> to vector<16xf32>
    %neg3A_285 = arith.constant 0.000000e+00 : f32
    %neg3A_286 = vector.broadcast %neg3A_285 : f32 to vector<16xf32>
    %neg3A_287 = arith.subf %neg3A_286, %get3A_284 : vector<16xf32>
    %exp3A_288 = math.exp %neg3A_287 : vector<16xf32>
    %sub3A_289 = arith.subf %sub3A_269, %get3A_284 : vector<16xf32>
    %swap3A_290 = arith.constant 224 : index
    %swap3A_291 = tpu.vector_load %arg8[%swap3A_290] {strides = array<i32>} : memref<512xf32, #tpu.memory_space<vmem>>, vector<16xf32>,
    %swap3A_292 = vector.shape_cast %swap3A_291 : vector<16xf32> to vector<16xf32>
    %swap3A_293 = vector.shape_cast %exp3A_288 : vector<16xf32> to vector<16xf32>
    tpu.vector_store %arg8[%swap3A_290], %swap3A_293 {strides = array<i32>} : memref<512xf32, #tpu.memory_space<vmem>>, vector<16xf32>,
    %mul3A_294 = arith.mulf %get3A_281, %exp3A_288 : vector<16xf32>
    %swap3A_295 = arith.constant 224 : index
    %swap3A_296 = tpu.vector_load %arg9[%swap3A_295] {strides = array<i32>} : memref<512xf32, #tpu.memory_space<vmem>>, vector<16xf32>,
    %swap3A_297 = vector.shape_cast %swap3A_296 : vector<16xf32> to vector<16xf32>
    %swap3A_298 = vector.shape_cast %mul3A_294 : vector<16xf32> to vector<16xf32>
    tpu.vector_store %arg9[%swap3A_295], %swap3A_298 {strides = array<i32>} : memref<512xf32, #tpu.memory_space<vmem>>, vector<16xf32>,
    %get3A_299 = arith.constant 240 : index
    %get3A_300 = tpu.vector_load %arg9[%get3A_299] {strides = array<i32>} : memref<512xf32, #tpu.memory_space<vmem>>, vector<16xf32>,
    %get3A_301 = vector.shape_cast %get3A_300 : vector<16xf32> to vector<16xf32>
    %get3A_302 = arith.constant 240 : index
    %get3A_303 = tpu.vector_load %arg8[%get3A_302] {strides = array<i32>} : memref<512xf32, #tpu.memory_space<vmem>>, vector<16xf32>,
    %get3A_304 = vector.shape_cast %get3A_303 : vector<16xf32> to vector<16xf32>
    %neg3A_305 = arith.constant 0.000000e+00 : f32
    %neg3A_306 = vector.broadcast %neg3A_305 : f32 to vector<16xf32>
    %neg3A_307 = arith.subf %neg3A_306, %get3A_304 : vector<16xf32>
    %exp3A_308 = math.exp %neg3A_307 : vector<16xf32>
    %sub3A_309 = arith.subf %sub3A_289, %get3A_304 : vector<16xf32>
    %swap3A_310 = arith.constant 240 : index
    %swap3A_311 = tpu.vector_load %arg8[%swap3A_310] {strides = array<i32>} : memref<512xf32, #tpu.memory_space<vmem>>, vector<16xf32>,
    %swap3A_312 = vector.shape_cast %swap3A_311 : vector<16xf32> to vector<16xf32>
    %swap3A_313 = vector.shape_cast %exp3A_308 : vector<16xf32> to vector<16xf32>
    tpu.vector_store %arg8[%swap3A_310], %swap3A_313 {strides = array<i32>} : memref<512xf32, #tpu.memory_space<vmem>>, vector<16xf32>,
    %mul3A_314 = arith.mulf %get3A_301, %exp3A_308 : vector<16xf32>
    %swap3A_315 = arith.constant 240 : index
    %swap3A_316 = tpu.vector_load %arg9[%swap3A_315] {strides = array<i32>} : memref<512xf32, #tpu.memory_space<vmem>>, vector<16xf32>,
    %swap3A_317 = vector.shape_cast %swap3A_316 : vector<16xf32> to vector<16xf32>
    %swap3A_318 = vector.shape_cast %mul3A_314 : vector<16xf32> to vector<16xf32>
    tpu.vector_store %arg9[%swap3A_315], %swap3A_318 {strides = array<i32>} : memref<512xf32, #tpu.memory_space<vmem>>, vector<16xf32>,
    %get3A_319 = arith.constant 256 : index
    %get3A_320 = tpu.vector_load %arg9[%get3A_319] {strides = array<i32>} : memref<512xf32, #tpu.memory_space<vmem>>, vector<16xf32>,
    %get3A_321 = vector.shape_cast %get3A_320 : vector<16xf32> to vector<16xf32>
    %get3A_322 = arith.constant 256 : index
    %get3A_323 = tpu.vector_load %arg8[%get3A_322] {strides = array<i32>} : memref<512xf32, #tpu.memory_space<vmem>>, vector<16xf32>,
    %get3A_324 = vector.shape_cast %get3A_323 : vector<16xf32> to vector<16xf32>
    %neg3A_325 = arith.constant 0.000000e+00 : f32
    %neg3A_326 = vector.broadcast %neg3A_325 : f32 to vector<16xf32>
    %neg3A_327 = arith.subf %neg3A_326, %get3A_324 : vector<16xf32>
    %exp3A_328 = math.exp %neg3A_327 : vector<16xf32>
    %sub3A_329 = arith.subf %sub3A_309, %get3A_324 : vector<16xf32>
    %swap3A_330 = arith.constant 256 : index
    %swap3A_331 = tpu.vector_load %arg8[%swap3A_330] {strides = array<i32>} : memref<512xf32, #tpu.memory_space<vmem>>, vector<16xf32>,
    %swap3A_332 = vector.shape_cast %swap3A_331 : vector<16xf32> to vector<16xf32>
    %swap3A_333 = vector.shape_cast %exp3A_328 : vector<16xf32> to vector<16xf32>
    tpu.vector_store %arg8[%swap3A_330], %swap3A_333 {strides = array<i32>} : memref<512xf32, #tpu.memory_space<vmem>>, vector<16xf32>,
    %mul3A_334 = arith.mulf %get3A_321, %exp3A_328 : vector<16xf32>
    %swap3A_335 = arith.constant 256 : index
    %swap3A_336 = tpu.vector_load %arg9[%swap3A_335] {strides = array<i32>} : memref<512xf32, #tpu.memory_space<vmem>>, vector<16xf32>,
    %swap3A_337 = vector.shape_cast %swap3A_336 : vector<16xf32> to vector<16xf32>
    %swap3A_338 = vector.shape_cast %mul3A_334 : vector<16xf32> to vector<16xf32>
    tpu.vector_store %arg9[%swap3A_335], %swap3A_338 {strides = array<i32>} : memref<512xf32, #tpu.memory_space<vmem>>, vector<16xf32>,
    %get3A_339 = arith.constant 272 : index
    %get3A_340 = tpu.vector_load %arg9[%get3A_339] {strides = array<i32>} : memref<512xf32, #tpu.memory_space<vmem>>, vector<16xf32>,
    %get3A_341 = vector.shape_cast %get3A_340 : vector<16xf32> to vector<16xf32>
    %get3A_342 = arith.constant 272 : index
    %get3A_343 = tpu.vector_load %arg8[%get3A_342] {strides = array<i32>} : memref<512xf32, #tpu.memory_space<vmem>>, vector<16xf32>,
    %get3A_344 = vector.shape_cast %get3A_343 : vector<16xf32> to vector<16xf32>
    %neg3A_345 = arith.constant 0.000000e+00 : f32
    %neg3A_346 = vector.broadcast %neg3A_345 : f32 to vector<16xf32>
    %neg3A_347 = arith.subf %neg3A_346, %get3A_344 : vector<16xf32>
    %exp3A_348 = math.exp %neg3A_347 : vector<16xf32>
    %sub3A_349 = arith.subf %sub3A_329, %get3A_344 : vector<16xf32>
    %swap3A_350 = arith.constant 272 : index
    %swap3A_351 = tpu.vector_load %arg8[%swap3A_350] {strides = array<i32>} : memref<512xf32, #tpu.memory_space<vmem>>, vector<16xf32>,
    %swap3A_352 = vector.shape_cast %swap3A_351 : vector<16xf32> to vector<16xf32>
    %swap3A_353 = vector.shape_cast %exp3A_348 : vector<16xf32> to vector<16xf32>
    tpu.vector_store %arg8[%swap3A_350], %swap3A_353 {strides = array<i32>} : memref<512xf32, #tpu.memory_space<vmem>>, vector<16xf32>,
    %mul3A_354 = arith.mulf %get3A_341, %exp3A_348 : vector<16xf32>
    %swap3A_355 = arith.constant 272 : index
    %swap3A_356 = tpu.vector_load %arg9[%swap3A_355] {strides = array<i32>} : memref<512xf32, #tpu.memory_space<vmem>>, vector<16xf32>,
    %swap3A_357 = vector.shape_cast %swap3A_356 : vector<16xf32> to vector<16xf32>
    %swap3A_358 = vector.shape_cast %mul3A_354 : vector<16xf32> to vector<16xf32>
    tpu.vector_store %arg9[%swap3A_355], %swap3A_358 {strides = array<i32>} : memref<512xf32, #tpu.memory_space<vmem>>, vector<16xf32>,
    %get3A_359 = arith.constant 288 : index
    %get3A_360 = tpu.vector_load %arg9[%get3A_359] {strides = array<i32>} : memref<512xf32, #tpu.memory_space<vmem>>, vector<16xf32>,
    %get3A_361 = vector.shape_cast %get3A_360 : vector<16xf32> to vector<16xf32>
    %get3A_362 = arith.constant 288 : index
    %get3A_363 = tpu.vector_load %arg8[%get3A_362] {strides = array<i32>} : memref<512xf32, #tpu.memory_space<vmem>>, vector<16xf32>,
    %get3A_364 = vector.shape_cast %get3A_363 : vector<16xf32> to vector<16xf32>
    %neg3A_365 = arith.constant 0.000000e+00 : f32
    %neg3A_366 = vector.broadcast %neg3A_365 : f32 to vector<16xf32>
    %neg3A_367 = arith.subf %neg3A_366, %get3A_364 : vector<16xf32>
    %exp3A_368 = math.exp %neg3A_367 : vector<16xf32>
    %sub3A_369 = arith.subf %sub3A_349, %get3A_364 : vector<16xf32>
    %swap3A_370 = arith.constant 288 : index
    %swap3A_371 = tpu.vector_load %arg8[%swap3A_370] {strides = array<i32>} : memref<512xf32, #tpu.memory_space<vmem>>, vector<16xf32>,
    %swap3A_372 = vector.shape_cast %swap3A_371 : vector<16xf32> to vector<16xf32>
    %swap3A_373 = vector.shape_cast %exp3A_368 : vector<16xf32> to vector<16xf32>
    tpu.vector_store %arg8[%swap3A_370], %swap3A_373 {strides = array<i32>} : memref<512xf32, #tpu.memory_space<vmem>>, vector<16xf32>,
    %mul3A_374 = arith.mulf %get3A_361, %exp3A_368 : vector<16xf32>
    %swap3A_375 = arith.constant 288 : index
    %swap3A_376 = tpu.vector_load %arg9[%swap3A_375] {strides = array<i32>} : memref<512xf32, #tpu.memory_space<vmem>>, vector<16xf32>,
    %swap3A_377 = vector.shape_cast %swap3A_376 : vector<16xf32> to vector<16xf32>
    %swap3A_378 = vector.shape_cast %mul3A_374 : vector<16xf32> to vector<16xf32>
    tpu.vector_store %arg9[%swap3A_375], %swap3A_378 {strides = array<i32>} : memref<512xf32, #tpu.memory_space<vmem>>, vector<16xf32>,
    %get3A_379 = arith.constant 304 : index
    %get3A_380 = tpu.vector_load %arg9[%get3A_379] {strides = array<i32>} : memref<512xf32, #tpu.memory_space<vmem>>, vector<16xf32>,
    %get3A_381 = vector.shape_cast %get3A_380 : vector<16xf32> to vector<16xf32>
    %get3A_382 = arith.constant 304 : index
    %get3A_383 = tpu.vector_load %arg8[%get3A_382] {strides = array<i32>} : memref<512xf32, #tpu.memory_space<vmem>>, vector<16xf32>,
    %get3A_384 = vector.shape_cast %get3A_383 : vector<16xf32> to vector<16xf32>
    %neg3A_385 = arith.constant 0.000000e+00 : f32
    %neg3A_386 = vector.broadcast %neg3A_385 : f32 to vector<16xf32>
    %neg3A_387 = arith.subf %neg3A_386, %get3A_384 : vector<16xf32>
    %exp3A_388 = math.exp %neg3A_387 : vector<16xf32>
    %sub3A_389 = arith.subf %sub3A_369, %get3A_384 : vector<16xf32>
    %swap3A_390 = arith.constant 304 : index
    %swap3A_391 = tpu.vector_load %arg8[%swap3A_390] {strides = array<i32>} : memref<512xf32, #tpu.memory_space<vmem>>, vector<16xf32>,
    %swap3A_392 = vector.shape_cast %swap3A_391 : vector<16xf32> to vector<16xf32>
    %swap3A_393 = vector.shape_cast %exp3A_388 : vector<16xf32> to vector<16xf32>
    tpu.vector_store %arg8[%swap3A_390], %swap3A_393 {strides = array<i32>} : memref<512xf32, #tpu.memory_space<vmem>>, vector<16xf32>,
    %mul3A_394 = arith.mulf %get3A_381, %exp3A_388 : vector<16xf32>
    %swap3A_395 = arith.constant 304 : index
    %swap3A_396 = tpu.vector_load %arg9[%swap3A_395] {strides = array<i32>} : memref<512xf32, #tpu.memory_space<vmem>>, vector<16xf32>,
    %swap3A_397 = vector.shape_cast %swap3A_396 : vector<16xf32> to vector<16xf32>
    %swap3A_398 = vector.shape_cast %mul3A_394 : vector<16xf32> to vector<16xf32>
    tpu.vector_store %arg9[%swap3A_395], %swap3A_398 {strides = array<i32>} : memref<512xf32, #tpu.memory_space<vmem>>, vector<16xf32>,
    %get3A_399 = arith.constant 320 : index
    %get3A_400 = tpu.vector_load %arg9[%get3A_399] {strides = array<i32>} : memref<512xf32, #tpu.memory_space<vmem>>, vector<16xf32>,
    %get3A_401 = vector.shape_cast %get3A_400 : vector<16xf32> to vector<16xf32>
    %get3A_402 = arith.constant 320 : index
    %get3A_403 = tpu.vector_load %arg8[%get3A_402] {strides = array<i32>} : memref<512xf32, #tpu.memory_space<vmem>>, vector<16xf32>,
    %get3A_404 = vector.shape_cast %get3A_403 : vector<16xf32> to vector<16xf32>
    %neg3A_405 = arith.constant 0.000000e+00 : f32
    %neg3A_406 = vector.broadcast %neg3A_405 : f32 to vector<16xf32>
    %neg3A_407 = arith.subf %neg3A_406, %get3A_404 : vector<16xf32>
    %exp3A_408 = math.exp %neg3A_407 : vector<16xf32>
    %sub3A_409 = arith.subf %sub3A_389, %get3A_404 : vector<16xf32>
    %swap3A_410 = arith.constant 320 : index
    %swap3A_411 = tpu.vector_load %arg8[%swap3A_410] {strides = array<i32>} : memref<512xf32, #tpu.memory_space<vmem>>, vector<16xf32>,
    %swap3A_412 = vector.shape_cast %swap3A_411 : vector<16xf32> to vector<16xf32>
    %swap3A_413 = vector.shape_cast %exp3A_408 : vector<16xf32> to vector<16xf32>
    tpu.vector_store %arg8[%swap3A_410], %swap3A_413 {strides = array<i32>} : memref<512xf32, #tpu.memory_space<vmem>>, vector<16xf32>,
    %mul3A_414 = arith.mulf %get3A_401, %exp3A_408 : vector<16xf32>
    %swap3A_415 = arith.constant 320 : index
    %swap3A_416 = tpu.vector_load %arg9[%swap3A_415] {strides = array<i32>} : memref<512xf32, #tpu.memory_space<vmem>>, vector<16xf32>,
    %swap3A_417 = vector.shape_cast %swap3A_416 : vector<16xf32> to vector<16xf32>
    %swap3A_418 = vector.shape_cast %mul3A_414 : vector<16xf32> to vector<16xf32>
    tpu.vector_store %arg9[%swap3A_415], %swap3A_418 {strides = array<i32>} : memref<512xf32, #tpu.memory_space<vmem>>, vector<16xf32>,
    %get3A_419 = arith.constant 336 : index
    %get3A_420 = tpu.vector_load %arg9[%get3A_419] {strides = array<i32>} : memref<512xf32, #tpu.memory_space<vmem>>, vector<16xf32>,
    %get3A_421 = vector.shape_cast %get3A_420 : vector<16xf32> to vector<16xf32>
    %get3A_422 = arith.constant 336 : index
    %get3A_423 = tpu.vector_load %arg8[%get3A_422] {strides = array<i32>} : memref<512xf32, #tpu.memory_space<vmem>>, vector<16xf32>,
    %get3A_424 = vector.shape_cast %get3A_423 : vector<16xf32> to vector<16xf32>
    %neg3A_425 = arith.constant 0.000000e+00 : f32
    %neg3A_426 = vector.broadcast %neg3A_425 : f32 to vector<16xf32>
    %neg3A_427 = arith.subf %neg3A_426, %get3A_424 : vector<16xf32>
    %exp3A_428 = math.exp %neg3A_427 : vector<16xf32>
    %sub3A_429 = arith.subf %sub3A_409, %get3A_424 : vector<16xf32>
    %swap3A_430 = arith.constant 336 : index
    %swap3A_431 = tpu.vector_load %arg8[%swap3A_430] {strides = array<i32>} : memref<512xf32, #tpu.memory_space<vmem>>, vector<16xf32>,
    %swap3A_432 = vector.shape_cast %swap3A_431 : vector<16xf32> to vector<16xf32>
    %swap3A_433 = vector.shape_cast %exp3A_428 : vector<16xf32> to vector<16xf32>
    tpu.vector_store %arg8[%swap3A_430], %swap3A_433 {strides = array<i32>} : memref<512xf32, #tpu.memory_space<vmem>>, vector<16xf32>,
    %mul3A_434 = arith.mulf %get3A_421, %exp3A_428 : vector<16xf32>
    %swap3A_435 = arith.constant 336 : index
    %swap3A_436 = tpu.vector_load %arg9[%swap3A_435] {strides = array<i32>} : memref<512xf32, #tpu.memory_space<vmem>>, vector<16xf32>,
    %swap3A_437 = vector.shape_cast %swap3A_436 : vector<16xf32> to vector<16xf32>
    %swap3A_438 = vector.shape_cast %mul3A_434 : vector<16xf32> to vector<16xf32>
    tpu.vector_store %arg9[%swap3A_435], %swap3A_438 {strides = array<i32>} : memref<512xf32, #tpu.memory_space<vmem>>, vector<16xf32>,
    %get3A_439 = arith.constant 352 : index
    %get3A_440 = tpu.vector_load %arg9[%get3A_439] {strides = array<i32>} : memref<512xf32, #tpu.memory_space<vmem>>, vector<16xf32>,
    %get3A_441 = vector.shape_cast %get3A_440 : vector<16xf32> to vector<16xf32>
    %get3A_442 = arith.constant 352 : index
    %get3A_443 = tpu.vector_load %arg8[%get3A_442] {strides = array<i32>} : memref<512xf32, #tpu.memory_space<vmem>>, vector<16xf32>,
    %get3A_444 = vector.shape_cast %get3A_443 : vector<16xf32> to vector<16xf32>
    %neg3A_445 = arith.constant 0.000000e+00 : f32
    %neg3A_446 = vector.broadcast %neg3A_445 : f32 to vector<16xf32>
    %neg3A_447 = arith.subf %neg3A_446, %get3A_444 : vector<16xf32>
    %exp3A_448 = math.exp %neg3A_447 : vector<16xf32>
    %sub3A_449 = arith.subf %sub3A_429, %get3A_444 : vector<16xf32>
    %swap3A_450 = arith.constant 352 : index
    %swap3A_451 = tpu.vector_load %arg8[%swap3A_450] {strides = array<i32>} : memref<512xf32, #tpu.memory_space<vmem>>, vector<16xf32>,
    %swap3A_452 = vector.shape_cast %swap3A_451 : vector<16xf32> to vector<16xf32>
    %swap3A_453 = vector.shape_cast %exp3A_448 : vector<16xf32> to vector<16xf32>
    tpu.vector_store %arg8[%swap3A_450], %swap3A_453 {strides = array<i32>} : memref<512xf32, #tpu.memory_space<vmem>>, vector<16xf32>,
    %mul3A_454 = arith.mulf %get3A_441, %exp3A_448 : vector<16xf32>
    %swap3A_455 = arith.constant 352 : index
    %swap3A_456 = tpu.vector_load %arg9[%swap3A_455] {strides = array<i32>} : memref<512xf32, #tpu.memory_space<vmem>>, vector<16xf32>,
    %swap3A_457 = vector.shape_cast %swap3A_456 : vector<16xf32> to vector<16xf32>
    %swap3A_458 = vector.shape_cast %mul3A_454 : vector<16xf32> to vector<16xf32>
    tpu.vector_store %arg9[%swap3A_455], %swap3A_458 {strides = array<i32>} : memref<512xf32, #tpu.memory_space<vmem>>, vector<16xf32>,
    %get3A_459 = arith.constant 368 : index
    %get3A_460 = tpu.vector_load %arg9[%get3A_459] {strides = array<i32>} : memref<512xf32, #tpu.memory_space<vmem>>, vector<16xf32>,
    %get3A_461 = vector.shape_cast %get3A_460 : vector<16xf32> to vector<16xf32>
    %get3A_462 = arith.constant 368 : index
    %get3A_463 = tpu.vector_load %arg8[%get3A_462] {strides = array<i32>} : memref<512xf32, #tpu.memory_space<vmem>>, vector<16xf32>,
    %get3A_464 = vector.shape_cast %get3A_463 : vector<16xf32> to vector<16xf32>
    %neg3A_465 = arith.constant 0.000000e+00 : f32
    %neg3A_466 = vector.broadcast %neg3A_465 : f32 to vector<16xf32>
    %neg3A_467 = arith.subf %neg3A_466, %get3A_464 : vector<16xf32>
    %exp3A_468 = math.exp %neg3A_467 : vector<16xf32>
    %sub3A_469 = arith.subf %sub3A_449, %get3A_464 : vector<16xf32>
    %swap3A_470 = arith.constant 368 : index
    %swap3A_471 = tpu.vector_load %arg8[%swap3A_470] {strides = array<i32>} : memref<512xf32, #tpu.memory_space<vmem>>, vector<16xf32>,
    %swap3A_472 = vector.shape_cast %swap3A_471 : vector<16xf32> to vector<16xf32>
    %swap3A_473 = vector.shape_cast %exp3A_468 : vector<16xf32> to vector<16xf32>
    tpu.vector_store %arg8[%swap3A_470], %swap3A_473 {strides = array<i32>} : memref<512xf32, #tpu.memory_space<vmem>>, vector<16xf32>,
    %mul3A_474 = arith.mulf %get3A_461, %exp3A_468 : vector<16xf32>
    %swap3A_475 = arith.constant 368 : index
    %swap3A_476 = tpu.vector_load %arg9[%swap3A_475] {strides = array<i32>} : memref<512xf32, #tpu.memory_space<vmem>>, vector<16xf32>,
    %swap3A_477 = vector.shape_cast %swap3A_476 : vector<16xf32> to vector<16xf32>
    %swap3A_478 = vector.shape_cast %mul3A_474 : vector<16xf32> to vector<16xf32>
    tpu.vector_store %arg9[%swap3A_475], %swap3A_478 {strides = array<i32>} : memref<512xf32, #tpu.memory_space<vmem>>, vector<16xf32>,
    %get3A_479 = arith.constant 384 : index
    %get3A_480 = tpu.vector_load %arg9[%get3A_479] {strides = array<i32>} : memref<512xf32, #tpu.memory_space<vmem>>, vector<16xf32>,
    %get3A_481 = vector.shape_cast %get3A_480 : vector<16xf32> to vector<16xf32>
    %get3A_482 = arith.constant 384 : index
    %get3A_483 = tpu.vector_load %arg8[%get3A_482] {strides = array<i32>} : memref<512xf32, #tpu.memory_space<vmem>>, vector<16xf32>,
    %get3A_484 = vector.shape_cast %get3A_483 : vector<16xf32> to vector<16xf32>
    %neg3A_485 = arith.constant 0.000000e+00 : f32
    %neg3A_486 = vector.broadcast %neg3A_485 : f32 to vector<16xf32>
    %neg3A_487 = arith.subf %neg3A_486, %get3A_484 : vector<16xf32>
    %exp3A_488 = math.exp %neg3A_487 : vector<16xf32>
    %sub3A_489 = arith.subf %sub3A_469, %get3A_484 : vector<16xf32>
    %swap3A_490 = arith.constant 384 : index
    %swap3A_491 = tpu.vector_load %arg8[%swap3A_490] {strides = array<i32>} : memref<512xf32, #tpu.memory_space<vmem>>, vector<16xf32>,
    %swap3A_492 = vector.shape_cast %swap3A_491 : vector<16xf32> to vector<16xf32>
    %swap3A_493 = vector.shape_cast %exp3A_488 : vector<16xf32> to vector<16xf32>
    tpu.vector_store %arg8[%swap3A_490], %swap3A_493 {strides = array<i32>} : memref<512xf32, #tpu.memory_space<vmem>>, vector<16xf32>,
    %mul3A_494 = arith.mulf %get3A_481, %exp3A_488 : vector<16xf32>
    %swap3A_495 = arith.constant 384 : index
    %swap3A_496 = tpu.vector_load %arg9[%swap3A_495] {strides = array<i32>} : memref<512xf32, #tpu.memory_space<vmem>>, vector<16xf32>,
    %swap3A_497 = vector.shape_cast %swap3A_496 : vector<16xf32> to vector<16xf32>
    %swap3A_498 = vector.shape_cast %mul3A_494 : vector<16xf32> to vector<16xf32>
    tpu.vector_store %arg9[%swap3A_495], %swap3A_498 {strides = array<i32>} : memref<512xf32, #tpu.memory_space<vmem>>, vector<16xf32>,
    %get3A_499 = arith.constant 400 : index
    %get3A_500 = tpu.vector_load %arg9[%get3A_499] {strides = array<i32>} : memref<512xf32, #tpu.memory_space<vmem>>, vector<16xf32>,
    %get3A_501 = vector.shape_cast %get3A_500 : vector<16xf32> to vector<16xf32>
    %get3A_502 = arith.constant 400 : index
    %get3A_503 = tpu.vector_load %arg8[%get3A_502] {strides = array<i32>} : memref<512xf32, #tpu.memory_space<vmem>>, vector<16xf32>,
    %get3A_504 = vector.shape_cast %get3A_503 : vector<16xf32> to vector<16xf32>
    %neg3A_505 = arith.constant 0.000000e+00 : f32
    %neg3A_506 = vector.broadcast %neg3A_505 : f32 to vector<16xf32>
    %neg3A_507 = arith.subf %neg3A_506, %get3A_504 : vector<16xf32>
    %exp3A_508 = math.exp %neg3A_507 : vector<16xf32>
    %sub3A_509 = arith.subf %sub3A_489, %get3A_504 : vector<16xf32>
    %swap3A_510 = arith.constant 400 : index
    %swap3A_511 = tpu.vector_load %arg8[%swap3A_510] {strides = array<i32>} : memref<512xf32, #tpu.memory_space<vmem>>, vector<16xf32>,
    %swap3A_512 = vector.shape_cast %swap3A_511 : vector<16xf32> to vector<16xf32>
    %swap3A_513 = vector.shape_cast %exp3A_508 : vector<16xf32> to vector<16xf32>
    tpu.vector_store %arg8[%swap3A_510], %swap3A_513 {strides = array<i32>} : memref<512xf32, #tpu.memory_space<vmem>>, vector<16xf32>,
    %mul3A_514 = arith.mulf %get3A_501, %exp3A_508 : vector<16xf32>
    %swap3A_515 = arith.constant 400 : index
    %swap3A_516 = tpu.vector_load %arg9[%swap3A_515] {strides = array<i32>} : memref<512xf32, #tpu.memory_space<vmem>>, vector<16xf32>,
    %swap3A_517 = vector.shape_cast %swap3A_516 : vector<16xf32> to vector<16xf32>
    %swap3A_518 = vector.shape_cast %mul3A_514 : vector<16xf32> to vector<16xf32>
    tpu.vector_store %arg9[%swap3A_515], %swap3A_518 {strides = array<i32>} : memref<512xf32, #tpu.memory_space<vmem>>, vector<16xf32>,
    %get3A_519 = arith.constant 416 : index
    %get3A_520 = tpu.vector_load %arg9[%get3A_519] {strides = array<i32>} : memref<512xf32, #tpu.memory_space<vmem>>, vector<16xf32>,
    %get3A_521 = vector.shape_cast %get3A_520 : vector<16xf32> to vector<16xf32>
    %get3A_522 = arith.constant 416 : index
    %get3A_523 = tpu.vector_load %arg8[%get3A_522] {strides = array<i32>} : memref<512xf32, #tpu.memory_space<vmem>>, vector<16xf32>,
    %get3A_524 = vector.shape_cast %get3A_523 : vector<16xf32> to vector<16xf32>
    %neg3A_525 = arith.constant 0.000000e+00 : f32
    %neg3A_526 = vector.broadcast %neg3A_525 : f32 to vector<16xf32>
    %neg3A_527 = arith.subf %neg3A_526, %get3A_524 : vector<16xf32>
    %exp3A_528 = math.exp %neg3A_527 : vector<16xf32>
    %sub3A_529 = arith.subf %sub3A_509, %get3A_524 : vector<16xf32>
    %swap3A_530 = arith.constant 416 : index
    %swap3A_531 = tpu.vector_load %arg8[%swap3A_530] {strides = array<i32>} : memref<512xf32, #tpu.memory_space<vmem>>, vector<16xf32>,
    %swap3A_532 = vector.shape_cast %swap3A_531 : vector<16xf32> to vector<16xf32>
    %swap3A_533 = vector.shape_cast %exp3A_528 : vector<16xf32> to vector<16xf32>
    tpu.vector_store %arg8[%swap3A_530], %swap3A_533 {strides = array<i32>} : memref<512xf32, #tpu.memory_space<vmem>>, vector<16xf32>,
    %mul3A_534 = arith.mulf %get3A_521, %exp3A_528 : vector<16xf32>
    %swap3A_535 = arith.constant 416 : index
    %swap3A_536 = tpu.vector_load %arg9[%swap3A_535] {strides = array<i32>} : memref<512xf32, #tpu.memory_space<vmem>>, vector<16xf32>,
    %swap3A_537 = vector.shape_cast %swap3A_536 : vector<16xf32> to vector<16xf32>
    %swap3A_538 = vector.shape_cast %mul3A_534 : vector<16xf32> to vector<16xf32>
    tpu.vector_store %arg9[%swap3A_535], %swap3A_538 {strides = array<i32>} : memref<512xf32, #tpu.memory_space<vmem>>, vector<16xf32>,
    %get3A_539 = arith.constant 432 : index
    %get3A_540 = tpu.vector_load %arg9[%get3A_539] {strides = array<i32>} : memref<512xf32, #tpu.memory_space<vmem>>, vector<16xf32>,
    %get3A_541 = vector.shape_cast %get3A_540 : vector<16xf32> to vector<16xf32>
    %get3A_542 = arith.constant 432 : index
    %get3A_543 = tpu.vector_load %arg8[%get3A_542] {strides = array<i32>} : memref<512xf32, #tpu.memory_space<vmem>>, vector<16xf32>,
    %get3A_544 = vector.shape_cast %get3A_543 : vector<16xf32> to vector<16xf32>
    %neg3A_545 = arith.constant 0.000000e+00 : f32
    %neg3A_546 = vector.broadcast %neg3A_545 : f32 to vector<16xf32>
    %neg3A_547 = arith.subf %neg3A_546, %get3A_544 : vector<16xf32>
    %exp3A_548 = math.exp %neg3A_547 : vector<16xf32>
    %sub3A_549 = arith.subf %sub3A_529, %get3A_544 : vector<16xf32>
    %swap3A_550 = arith.constant 432 : index
    %swap3A_551 = tpu.vector_load %arg8[%swap3A_550] {strides = array<i32>} : memref<512xf32, #tpu.memory_space<vmem>>, vector<16xf32>,
    %swap3A_552 = vector.shape_cast %swap3A_551 : vector<16xf32> to vector<16xf32>
    %swap3A_553 = vector.shape_cast %exp3A_548 : vector<16xf32> to vector<16xf32>
    tpu.vector_store %arg8[%swap3A_550], %swap3A_553 {strides = array<i32>} : memref<512xf32, #tpu.memory_space<vmem>>, vector<16xf32>,
    %mul3A_554 = arith.mulf %get3A_541, %exp3A_548 : vector<16xf32>
    %swap3A_555 = arith.constant 432 : index
    %swap3A_556 = tpu.vector_load %arg9[%swap3A_555] {strides = array<i32>} : memref<512xf32, #tpu.memory_space<vmem>>, vector<16xf32>,
    %swap3A_557 = vector.shape_cast %swap3A_556 : vector<16xf32> to vector<16xf32>
    %swap3A_558 = vector.shape_cast %mul3A_554 : vector<16xf32> to vector<16xf32>
    tpu.vector_store %arg9[%swap3A_555], %swap3A_558 {strides = array<i32>} : memref<512xf32, #tpu.memory_space<vmem>>, vector<16xf32>,
    %get3A_559 = arith.constant 448 : index
    %get3A_560 = tpu.vector_load %arg9[%get3A_559] {strides = array<i32>} : memref<512xf32, #tpu.memory_space<vmem>>, vector<16xf32>,
    %get3A_561 = vector.shape_cast %get3A_560 : vector<16xf32> to vector<16xf32>
    %get3A_562 = arith.constant 448 : index
    %get3A_563 = tpu.vector_load %arg8[%get3A_562] {strides = array<i32>} : memref<512xf32, #tpu.memory_space<vmem>>, vector<16xf32>,
    %get3A_564 = vector.shape_cast %get3A_563 : vector<16xf32> to vector<16xf32>
    %neg3A_565 = arith.constant 0.000000e+00 : f32
    %neg3A_566 = vector.broadcast %neg3A_565 : f32 to vector<16xf32>
    %neg3A_567 = arith.subf %neg3A_566, %get3A_564 : vector<16xf32>
    %exp3A_568 = math.exp %neg3A_567 : vector<16xf32>
    %sub3A_569 = arith.subf %sub3A_549, %get3A_564 : vector<16xf32>
    %swap3A_570 = arith.constant 448 : index
    %swap3A_571 = tpu.vector_load %arg8[%swap3A_570] {strides = array<i32>} : memref<512xf32, #tpu.memory_space<vmem>>, vector<16xf32>,
    %swap3A_572 = vector.shape_cast %swap3A_571 : vector<16xf32> to vector<16xf32>
    %swap3A_573 = vector.shape_cast %exp3A_568 : vector<16xf32> to vector<16xf32>
    tpu.vector_store %arg8[%swap3A_570], %swap3A_573 {strides = array<i32>} : memref<512xf32, #tpu.memory_space<vmem>>, vector<16xf32>,
    %mul3A_574 = arith.mulf %get3A_561, %exp3A_568 : vector<16xf32>
    %swap3A_575 = arith.constant 448 : index
    %swap3A_576 = tpu.vector_load %arg9[%swap3A_575] {strides = array<i32>} : memref<512xf32, #tpu.memory_space<vmem>>, vector<16xf32>,
    %swap3A_577 = vector.shape_cast %swap3A_576 : vector<16xf32> to vector<16xf32>
    %swap3A_578 = vector.shape_cast %mul3A_574 : vector<16xf32> to vector<16xf32>
    tpu.vector_store %arg9[%swap3A_575], %swap3A_578 {strides = array<i32>} : memref<512xf32, #tpu.memory_space<vmem>>, vector<16xf32>,
    %get3A_579 = arith.constant 464 : index
    %get3A_580 = tpu.vector_load %arg9[%get3A_579] {strides = array<i32>} : memref<512xf32, #tpu.memory_space<vmem>>, vector<16xf32>,
    %get3A_581 = vector.shape_cast %get3A_580 : vector<16xf32> to vector<16xf32>
    %get3A_582 = arith.constant 464 : index
    %get3A_583 = tpu.vector_load %arg8[%get3A_582] {strides = array<i32>} : memref<512xf32, #tpu.memory_space<vmem>>, vector<16xf32>,
    %get3A_584 = vector.shape_cast %get3A_583 : vector<16xf32> to vector<16xf32>
    %neg3A_585 = arith.constant 0.000000e+00 : f32
    %neg3A_586 = vector.broadcast %neg3A_585 : f32 to vector<16xf32>
    %neg3A_587 = arith.subf %neg3A_586, %get3A_584 : vector<16xf32>
    %exp3A_588 = math.exp %neg3A_587 : vector<16xf32>
    %sub3A_589 = arith.subf %sub3A_569, %get3A_584 : vector<16xf32>
    %swap3A_590 = arith.constant 464 : index
    %swap3A_591 = tpu.vector_load %arg8[%swap3A_590] {strides = array<i32>} : memref<512xf32, #tpu.memory_space<vmem>>, vector<16xf32>,
    %swap3A_592 = vector.shape_cast %swap3A_591 : vector<16xf32> to vector<16xf32>
    %swap3A_593 = vector.shape_cast %exp3A_588 : vector<16xf32> to vector<16xf32>
    tpu.vector_store %arg8[%swap3A_590], %swap3A_593 {strides = array<i32>} : memref<512xf32, #tpu.memory_space<vmem>>, vector<16xf32>,
    %mul3A_594 = arith.mulf %get3A_581, %exp3A_588 : vector<16xf32>
    %swap3A_595 = arith.constant 464 : index
    %swap3A_596 = tpu.vector_load %arg9[%swap3A_595] {strides = array<i32>} : memref<512xf32, #tpu.memory_space<vmem>>, vector<16xf32>,
    %swap3A_597 = vector.shape_cast %swap3A_596 : vector<16xf32> to vector<16xf32>
    %swap3A_598 = vector.shape_cast %mul3A_594 : vector<16xf32> to vector<16xf32>
    tpu.vector_store %arg9[%swap3A_595], %swap3A_598 {strides = array<i32>} : memref<512xf32, #tpu.memory_space<vmem>>, vector<16xf32>,
    %get3A_599 = arith.constant 480 : index
    %get3A_600 = tpu.vector_load %arg9[%get3A_599] {strides = array<i32>} : memref<512xf32, #tpu.memory_space<vmem>>, vector<16xf32>,
    %get3A_601 = vector.shape_cast %get3A_600 : vector<16xf32> to vector<16xf32>
    %get3A_602 = arith.constant 480 : index
    %get3A_603 = tpu.vector_load %arg8[%get3A_602] {strides = array<i32>} : memref<512xf32, #tpu.memory_space<vmem>>, vector<16xf32>,
    %get3A_604 = vector.shape_cast %get3A_603 : vector<16xf32> to vector<16xf32>
    %neg3A_605 = arith.constant 0.000000e+00 : f32
    %neg3A_606 = vector.broadcast %neg3A_605 : f32 to vector<16xf32>
    %neg3A_607 = arith.subf %neg3A_606, %get3A_604 : vector<16xf32>
    %exp3A_608 = math.exp %neg3A_607 : vector<16xf32>
    %sub3A_609 = arith.subf %sub3A_589, %get3A_604 : vector<16xf32>
    %swap3A_610 = arith.constant 480 : index
    %swap3A_611 = tpu.vector_load %arg8[%swap3A_610] {strides = array<i32>} : memref<512xf32, #tpu.memory_space<vmem>>, vector<16xf32>,
    %swap3A_612 = vector.shape_cast %swap3A_611 : vector<16xf32> to vector<16xf32>
    %swap3A_613 = vector.shape_cast %exp3A_608 : vector<16xf32> to vector<16xf32>
    tpu.vector_store %arg8[%swap3A_610], %swap3A_613 {strides = array<i32>} : memref<512xf32, #tpu.memory_space<vmem>>, vector<16xf32>,
    %mul3A_614 = arith.mulf %get3A_601, %exp3A_608 : vector<16xf32>
    %swap3A_615 = arith.constant 480 : index
    %swap3A_616 = tpu.vector_load %arg9[%swap3A_615] {strides = array<i32>} : memref<512xf32, #tpu.memory_space<vmem>>, vector<16xf32>,
    %swap3A_617 = vector.shape_cast %swap3A_616 : vector<16xf32> to vector<16xf32>
    %swap3A_618 = vector.shape_cast %mul3A_614 : vector<16xf32> to vector<16xf32>
    tpu.vector_store %arg9[%swap3A_615], %swap3A_618 {strides = array<i32>} : memref<512xf32, #tpu.memory_space<vmem>>, vector<16xf32>,
    %get3A_619 = arith.constant 496 : index
    %get3A_620 = tpu.vector_load %arg9[%get3A_619] {strides = array<i32>} : memref<512xf32, #tpu.memory_space<vmem>>, vector<16xf32>,
    %get3A_621 = vector.shape_cast %get3A_620 : vector<16xf32> to vector<16xf32>
    %get3A_622 = arith.constant 496 : index
    %get3A_623 = tpu.vector_load %arg8[%get3A_622] {strides = array<i32>} : memref<512xf32, #tpu.memory_space<vmem>>, vector<16xf32>,
    %get3A_624 = vector.shape_cast %get3A_623 : vector<16xf32> to vector<16xf32>
    %neg3A_625 = arith.constant 0.000000e+00 : f32
    %neg3A_626 = vector.broadcast %neg3A_625 : f32 to vector<16xf32>
    %neg3A_627 = arith.subf %neg3A_626, %get3A_624 : vector<16xf32>
    %exp3A_628 = math.exp %neg3A_627 : vector<16xf32>
    %sub3A_629 = arith.subf %sub3A_609, %get3A_624 : vector<16xf32>
    %swap3A_630 = arith.constant 496 : index
    %swap3A_631 = tpu.vector_load %arg8[%swap3A_630] {strides = array<i32>} : memref<512xf32, #tpu.memory_space<vmem>>, vector<16xf32>,
    %swap3A_632 = vector.shape_cast %swap3A_631 : vector<16xf32> to vector<16xf32>
    %swap3A_633 = vector.shape_cast %exp3A_628 : vector<16xf32> to vector<16xf32>
    tpu.vector_store %arg8[%swap3A_630], %swap3A_633 {strides = array<i32>} : memref<512xf32, #tpu.memory_space<vmem>>, vector<16xf32>,
    %mul3A_634 = arith.mulf %get3A_621, %exp3A_628 : vector<16xf32>
    %swap3A_635 = arith.constant 496 : index
    %swap3A_636 = tpu.vector_load %arg9[%swap3A_635] {strides = array<i32>} : memref<512xf32, #tpu.memory_space<vmem>>, vector<16xf32>,
    %swap3A_637 = vector.shape_cast %swap3A_636 : vector<16xf32> to vector<16xf32>
    %swap3A_638 = vector.shape_cast %mul3A_634 : vector<16xf32> to vector<16xf32>
    tpu.vector_store %arg9[%swap3A_635], %swap3A_638 {strides = array<i32>} : memref<512xf32, #tpu.memory_space<vmem>>, vector<16xf32>,
    %broadcast_in_dim3A_639 = arith.constant 0 : i32
    %broadcast_in_dim3A_640 = vector.broadcast %broadcast_in_dim3A_639 : i32 to vector<16x1xi32>
    %broadcast_in_dim3A_641 = arith.constant 1 : i32
    %broadcast_in_dim3A_642 = vector.broadcast %broadcast_in_dim3A_641 : i32 to vector<16x1xi32>
    %broadcast_in_dim3A_643 = arith.constant 2 : i32
    %broadcast_in_dim3A_644 = vector.broadcast %broadcast_in_dim3A_643 : i32 to vector<16x1xi32>
    %broadcast_in_dim3A_645 = arith.constant 3 : i32
    %broadcast_in_dim3A_646 = vector.broadcast %broadcast_in_dim3A_645 : i32 to vector<16x1xi32>
    %broadcast_in_dim3A_647 = arith.constant 4 : i32
    %broadcast_in_dim3A_648 = vector.broadcast %broadcast_in_dim3A_647 : i32 to vector<16x1xi32>
    %broadcast_in_dim3A_649 = arith.constant 5 : i32
    %broadcast_in_dim3A_650 = vector.broadcast %broadcast_in_dim3A_649 : i32 to vector<16x1xi32>
    %broadcast_in_dim3A_651 = arith.constant 6 : i32
    %broadcast_in_dim3A_652 = vector.broadcast %broadcast_in_dim3A_651 : i32 to vector<16x1xi32>
    %broadcast_in_dim3A_653 = arith.constant 7 : i32
    %broadcast_in_dim3A_654 = vector.broadcast %broadcast_in_dim3A_653 : i32 to vector<16x1xi32>
    %broadcast_in_dim3A_655 = arith.constant 8 : i32
    %broadcast_in_dim3A_656 = vector.broadcast %broadcast_in_dim3A_655 : i32 to vector<16x1xi32>
    %broadcast_in_dim3A_657 = arith.constant 9 : i32
    %broadcast_in_dim3A_658 = vector.broadcast %broadcast_in_dim3A_657 : i32 to vector<16x1xi32>
    %broadcast_in_dim3A_659 = arith.constant 10 : i32
    %broadcast_in_dim3A_660 = vector.broadcast %broadcast_in_dim3A_659 : i32 to vector<16x1xi32>
    %broadcast_in_dim3A_661 = arith.constant 11 : i32
    %broadcast_in_dim3A_662 = vector.broadcast %broadcast_in_dim3A_661 : i32 to vector<16x1xi32>
    %broadcast_in_dim3A_663 = arith.constant 12 : i32
    %broadcast_in_dim3A_664 = vector.broadcast %broadcast_in_dim3A_663 : i32 to vector<16x1xi32>
    %broadcast_in_dim3A_665 = arith.constant 13 : i32
    %broadcast_in_dim3A_666 = vector.broadcast %broadcast_in_dim3A_665 : i32 to vector<16x1xi32>
    %broadcast_in_dim3A_667 = arith.constant 14 : i32
    %broadcast_in_dim3A_668 = vector.broadcast %broadcast_in_dim3A_667 : i32 to vector<16x1xi32>
    %broadcast_in_dim3A_669 = arith.constant 15 : i32
    %broadcast_in_dim3A_670 = vector.broadcast %broadcast_in_dim3A_669 : i32 to vector<16x1xi32>
    %get3A_671 = arith.constant 0 : index
    %get3A_672 = tpu.vector_load %arg8[%get3A_671] {strides = array<i32>} : memref<512xf32, #tpu.memory_space<vmem>>, vector<16xf32>,
    %get3A_673 = vector.shape_cast %get3A_672 : vector<16xf32> to vector<16xf32>
    %get3A_674 = arith.constant 16 : index
    %get3A_675 = tpu.vector_load %arg8[%get3A_674] {strides = array<i32>} : memref<512xf32, #tpu.memory_space<vmem>>, vector<16xf32>,
    %get3A_676 = vector.shape_cast %get3A_675 : vector<16xf32> to vector<16xf32>
    %get3A_677 = arith.constant 32 : index
    %get3A_678 = tpu.vector_load %arg8[%get3A_677] {strides = array<i32>} : memref<512xf32, #tpu.memory_space<vmem>>, vector<16xf32>,
    %get3A_679 = vector.shape_cast %get3A_678 : vector<16xf32> to vector<16xf32>
    %get3A_680 = arith.constant 48 : index
    %get3A_681 = tpu.vector_load %arg8[%get3A_680] {strides = array<i32>} : memref<512xf32, #tpu.memory_space<vmem>>, vector<16xf32>,
    %get3A_682 = vector.shape_cast %get3A_681 : vector<16xf32> to vector<16xf32>
    %get3A_683 = arith.constant 64 : index
    %get3A_684 = tpu.vector_load %arg8[%get3A_683] {strides = array<i32>} : memref<512xf32, #tpu.memory_space<vmem>>, vector<16xf32>,
    %get3A_685 = vector.shape_cast %get3A_684 : vector<16xf32> to vector<16xf32>
    %get3A_686 = arith.constant 80 : index
    %get3A_687 = tpu.vector_load %arg8[%get3A_686] {strides = array<i32>} : memref<512xf32, #tpu.memory_space<vmem>>, vector<16xf32>,
    %get3A_688 = vector.shape_cast %get3A_687 : vector<16xf32> to vector<16xf32>
    %get3A_689 = arith.constant 96 : index
    %get3A_690 = tpu.vector_load %arg8[%get3A_689] {strides = array<i32>} : memref<512xf32, #tpu.memory_space<vmem>>, vector<16xf32>,
    %get3A_691 = vector.shape_cast %get3A_690 : vector<16xf32> to vector<16xf32>
    %get3A_692 = arith.constant 112 : index
    %get3A_693 = tpu.vector_load %arg8[%get3A_692] {strides = array<i32>} : memref<512xf32, #tpu.memory_space<vmem>>, vector<16xf32>,
    %get3A_694 = vector.shape_cast %get3A_693 : vector<16xf32> to vector<16xf32>
    %get3A_695 = arith.constant 128 : index
    %get3A_696 = tpu.vector_load %arg8[%get3A_695] {strides = array<i32>} : memref<512xf32, #tpu.memory_space<vmem>>, vector<16xf32>,
    %get3A_697 = vector.shape_cast %get3A_696 : vector<16xf32> to vector<16xf32>
    %get3A_698 = arith.constant 144 : index
    %get3A_699 = tpu.vector_load %arg8[%get3A_698] {strides = array<i32>} : memref<512xf32, #tpu.memory_space<vmem>>, vector<16xf32>,
    %get3A_700 = vector.shape_cast %get3A_699 : vector<16xf32> to vector<16xf32>
    %get3A_701 = arith.constant 160 : index
    %get3A_702 = tpu.vector_load %arg8[%get3A_701] {strides = array<i32>} : memref<512xf32, #tpu.memory_space<vmem>>, vector<16xf32>,
    %get3A_703 = vector.shape_cast %get3A_702 : vector<16xf32> to vector<16xf32>
    %get3A_704 = arith.constant 176 : index
    %get3A_705 = tpu.vector_load %arg8[%get3A_704] {strides = array<i32>} : memref<512xf32, #tpu.memory_space<vmem>>, vector<16xf32>,
    %get3A_706 = vector.shape_cast %get3A_705 : vector<16xf32> to vector<16xf32>
    %get3A_707 = arith.constant 192 : index
    %get3A_708 = tpu.vector_load %arg8[%get3A_707] {strides = array<i32>} : memref<512xf32, #tpu.memory_space<vmem>>, vector<16xf32>,
    %get3A_709 = vector.shape_cast %get3A_708 : vector<16xf32> to vector<16xf32>
    %get3A_710 = arith.constant 208 : index
    %get3A_711 = tpu.vector_load %arg8[%get3A_710] {strides = array<i32>} : memref<512xf32, #tpu.memory_space<vmem>>, vector<16xf32>,
    %get3A_712 = vector.shape_cast %get3A_711 : vector<16xf32> to vector<16xf32>
    %get3A_713 = arith.constant 224 : index
    %get3A_714 = tpu.vector_load %arg8[%get3A_713] {strides = array<i32>} : memref<512xf32, #tpu.memory_space<vmem>>, vector<16xf32>,
    %get3A_715 = vector.shape_cast %get3A_714 : vector<16xf32> to vector<16xf32>
    %get3A_716 = arith.constant 240 : index
    %get3A_717 = tpu.vector_load %arg8[%get3A_716] {strides = array<i32>} : memref<512xf32, #tpu.memory_space<vmem>>, vector<16xf32>,
    %get3A_718 = vector.shape_cast %get3A_717 : vector<16xf32> to vector<16xf32>
    %get3A_719 = arith.constant 0 : index
    %get3A_720 = tpu.vector_load %arg9[%get3A_719] {strides = array<i32>} : memref<512xf32, #tpu.memory_space<vmem>>, vector<16xf32>,
    %get3A_721 = vector.shape_cast %get3A_720 : vector<16xf32> to vector<16xf32>
    %get3A_722 = arith.constant 16 : index
    %get3A_723 = tpu.vector_load %arg9[%get3A_722] {strides = array<i32>} : memref<512xf32, #tpu.memory_space<vmem>>, vector<16xf32>,
    %get3A_724 = vector.shape_cast %get3A_723 : vector<16xf32> to vector<16xf32>
    %get3A_725 = arith.constant 32 : index
    %get3A_726 = tpu.vector_load %arg9[%get3A_725] {strides = array<i32>} : memref<512xf32, #tpu.memory_space<vmem>>, vector<16xf32>,
    %get3A_727 = vector.shape_cast %get3A_726 : vector<16xf32> to vector<16xf32>
    %get3A_728 = arith.constant 48 : index
    %get3A_729 = tpu.vector_load %arg9[%get3A_728] {strides = array<i32>} : memref<512xf32, #tpu.memory_space<vmem>>, vector<16xf32>,
    %get3A_730 = vector.shape_cast %get3A_729 : vector<16xf32> to vector<16xf32>
    %get3A_731 = arith.constant 64 : index
    %get3A_732 = tpu.vector_load %arg9[%get3A_731] {strides = array<i32>} : memref<512xf32, #tpu.memory_space<vmem>>, vector<16xf32>,
    %get3A_733 = vector.shape_cast %get3A_732 : vector<16xf32> to vector<16xf32>
    %get3A_734 = arith.constant 80 : index
    %get3A_735 = tpu.vector_load %arg9[%get3A_734] {strides = array<i32>} : memref<512xf32, #tpu.memory_space<vmem>>, vector<16xf32>,
    %get3A_736 = vector.shape_cast %get3A_735 : vector<16xf32> to vector<16xf32>
    %get3A_737 = arith.constant 96 : index
    %get3A_738 = tpu.vector_load %arg9[%get3A_737] {strides = array<i32>} : memref<512xf32, #tpu.memory_space<vmem>>, vector<16xf32>,
    %get3A_739 = vector.shape_cast %get3A_738 : vector<16xf32> to vector<16xf32>
    %get3A_740 = arith.constant 112 : index
    %get3A_741 = tpu.vector_load %arg9[%get3A_740] {strides = array<i32>} : memref<512xf32, #tpu.memory_space<vmem>>, vector<16xf32>,
    %get3A_742 = vector.shape_cast %get3A_741 : vector<16xf32> to vector<16xf32>
    %get3A_743 = arith.constant 128 : index
    %get3A_744 = tpu.vector_load %arg9[%get3A_743] {strides = array<i32>} : memref<512xf32, #tpu.memory_space<vmem>>, vector<16xf32>,
    %get3A_745 = vector.shape_cast %get3A_744 : vector<16xf32> to vector<16xf32>
    %get3A_746 = arith.constant 144 : index
    %get3A_747 = tpu.vector_load %arg9[%get3A_746] {strides = array<i32>} : memref<512xf32, #tpu.memory_space<vmem>>, vector<16xf32>,
    %get3A_748 = vector.shape_cast %get3A_747 : vector<16xf32> to vector<16xf32>
    %get3A_749 = arith.constant 160 : index
    %get3A_750 = tpu.vector_load %arg9[%get3A_749] {strides = array<i32>} : memref<512xf32, #tpu.memory_space<vmem>>, vector<16xf32>,
    %get3A_751 = vector.shape_cast %get3A_750 : vector<16xf32> to vector<16xf32>
    %get3A_752 = arith.constant 176 : index
    %get3A_753 = tpu.vector_load %arg9[%get3A_752] {strides = array<i32>} : memref<512xf32, #tpu.memory_space<vmem>>, vector<16xf32>,
    %get3A_754 = vector.shape_cast %get3A_753 : vector<16xf32> to vector<16xf32>
    %get3A_755 = arith.constant 192 : index
    %get3A_756 = tpu.vector_load %arg9[%get3A_755] {strides = array<i32>} : memref<512xf32, #tpu.memory_space<vmem>>, vector<16xf32>,
    %get3A_757 = vector.shape_cast %get3A_756 : vector<16xf32> to vector<16xf32>
    %get3A_758 = arith.constant 208 : index
    %get3A_759 = tpu.vector_load %arg9[%get3A_758] {strides = array<i32>} : memref<512xf32, #tpu.memory_space<vmem>>, vector<16xf32>,
    %get3A_760 = vector.shape_cast %get3A_759 : vector<16xf32> to vector<16xf32>
    %get3A_761 = arith.constant 224 : index
    %get3A_762 = tpu.vector_load %arg9[%get3A_761] {strides = array<i32>} : memref<512xf32, #tpu.memory_space<vmem>>, vector<16xf32>,
    %get3A_763 = vector.shape_cast %get3A_762 : vector<16xf32> to vector<16xf32>
    %get3A_764 = arith.constant 240 : index
    %get3A_765 = tpu.vector_load %arg9[%get3A_764] {strides = array<i32>} : memref<512xf32, #tpu.memory_space<vmem>>, vector<16xf32>,
    %get3A_766 = vector.shape_cast %get3A_765 : vector<16xf32> to vector<16xf32>
    %parallel_loop3A = arith.constant 0 : i32
    %parallel_loop3A_767 = arith.constant 128 : i32
    %parallel_loop3A_768 = arith.constant 1 : i32
    scf.for %parallel_loop3A_870 = %parallel_loop3A to %parallel_loop3A_767 step %parallel_loop3A_768  : i32 {
      %parallel_loop3A_871 = arith.constant 32 : i32
      %parallel_loop3A_872 = arith.muli %parallel_loop3A_870, %parallel_loop3A_871 : i32
      %parallel_loop3A_873 = arith.constant 0 : i32
      %parallel_loop3A_874 = arith.addi %parallel_loop3A_872, %parallel_loop3A_873 : i32
      %parallel_loop3A_875 = arith.index_cast %parallel_loop3A_874 : i32 to index
      %parallel_loop3A_876 = tpu.vector_load %arg6[%parallel_loop3A_875] {strides = array<i32>} : memref<4096xf32, #tpu.memory_space<vmem>>, vector<16xf32>,
      %parallel_loop3A_877 = vector.shape_cast %parallel_loop3A_876 : vector<16xf32> to vector<16xf32>
      %parallel_loop3A_878 = arith.constant 0.000000e+00 : f32
      %parallel_loop3A_879 = vector.broadcast %parallel_loop3A_878 : f32 to vector<16xf32>
      %parallel_loop3A_880 = arith.constant 0.000000e+00 : f32
      %parallel_loop3A_881 = vector.broadcast %parallel_loop3A_880 : f32 to vector<16xf32>
      %parallel_loop3A_882 = vector.shape_cast %broadcast_in_dim3A_640 : vector<16x1xi32> to vector<16xi32>
      %parallel_loop3A_883 = tpu.dynamic_gather %parallel_loop3A_877[%parallel_loop3A_882] in [0] : vector<16xf32>, vector<16xi32> -> vector<16xf32>
      %parallel_loop3A_884 = arith.mulf %parallel_loop3A_883, %get3A_673 : vector<16xf32>
      %parallel_loop3A_885 = arith.subf %parallel_loop3A_884, %get3A_721 : vector<16xf32>
      %parallel_loop3A_886 = arith.mulf %parallel_loop3A_885, %parallel_loop3A_885 : vector<16xf32>
      %parallel_loop3A_887 = arith.addf %parallel_loop3A_879, %parallel_loop3A_886 : vector<16xf32>
      %parallel_loop3A_888 = vector.shape_cast %broadcast_in_dim3A_642 : vector<16x1xi32> to vector<16xi32>
      %parallel_loop3A_889 = tpu.dynamic_gather %parallel_loop3A_877[%parallel_loop3A_888] in [0] : vector<16xf32>, vector<16xi32> -> vector<16xf32>
      %parallel_loop3A_890 = arith.mulf %parallel_loop3A_889, %get3A_676 : vector<16xf32>
      %parallel_loop3A_891 = arith.subf %parallel_loop3A_890, %get3A_724 : vector<16xf32>
      %parallel_loop3A_892 = arith.mulf %parallel_loop3A_891, %parallel_loop3A_891 : vector<16xf32>
      %parallel_loop3A_893 = arith.addf %parallel_loop3A_881, %parallel_loop3A_892 : vector<16xf32>
      %parallel_loop3A_894 = vector.shape_cast %broadcast_in_dim3A_644 : vector<16x1xi32> to vector<16xi32>
      %parallel_loop3A_895 = tpu.dynamic_gather %parallel_loop3A_877[%parallel_loop3A_894] in [0] : vector<16xf32>, vector<16xi32> -> vector<16xf32>
      %parallel_loop3A_896 = arith.mulf %parallel_loop3A_895, %get3A_679 : vector<16xf32>
      %parallel_loop3A_897 = arith.subf %parallel_loop3A_896, %get3A_727 : vector<16xf32>
      %parallel_loop3A_898 = arith.mulf %parallel_loop3A_897, %parallel_loop3A_897 : vector<16xf32>
      %parallel_loop3A_899 = arith.addf %parallel_loop3A_887, %parallel_loop3A_898 : vector<16xf32>
      %parallel_loop3A_900 = vector.shape_cast %broadcast_in_dim3A_646 : vector<16x1xi32> to vector<16xi32>
      %parallel_loop3A_901 = tpu.dynamic_gather %parallel_loop3A_877[%parallel_loop3A_900] in [0] : vector<16xf32>, vector<16xi32> -> vector<16xf32>
      %parallel_loop3A_902 = arith.mulf %parallel_loop3A_901, %get3A_682 : vector<16xf32>
      %parallel_loop3A_903 = arith.subf %parallel_loop3A_902, %get3A_730 : vector<16xf32>
      %parallel_loop3A_904 = arith.mulf %parallel_loop3A_903, %parallel_loop3A_903 : vector<16xf32>
      %parallel_loop3A_905 = arith.addf %parallel_loop3A_893, %parallel_loop3A_904 : vector<16xf32>
      %parallel_loop3A_906 = vector.shape_cast %broadcast_in_dim3A_648 : vector<16x1xi32> to vector<16xi32>
      %parallel_loop3A_907 = tpu.dynamic_gather %parallel_loop3A_877[%parallel_loop3A_906] in [0] : vector<16xf32>, vector<16xi32> -> vector<16xf32>
      %parallel_loop3A_908 = arith.mulf %parallel_loop3A_907, %get3A_685 : vector<16xf32>
      %parallel_loop3A_909 = arith.subf %parallel_loop3A_908, %get3A_733 : vector<16xf32>
      %parallel_loop3A_910 = arith.mulf %parallel_loop3A_909, %parallel_loop3A_909 : vector<16xf32>
      %parallel_loop3A_911 = arith.addf %parallel_loop3A_899, %parallel_loop3A_910 : vector<16xf32>
      %parallel_loop3A_912 = vector.shape_cast %broadcast_in_dim3A_650 : vector<16x1xi32> to vector<16xi32>
      %parallel_loop3A_913 = tpu.dynamic_gather %parallel_loop3A_877[%parallel_loop3A_912] in [0] : vector<16xf32>, vector<16xi32> -> vector<16xf32>
      %parallel_loop3A_914 = arith.mulf %parallel_loop3A_913, %get3A_688 : vector<16xf32>
      %parallel_loop3A_915 = arith.subf %parallel_loop3A_914, %get3A_736 : vector<16xf32>
      %parallel_loop3A_916 = arith.mulf %parallel_loop3A_915, %parallel_loop3A_915 : vector<16xf32>
      %parallel_loop3A_917 = arith.addf %parallel_loop3A_905, %parallel_loop3A_916 : vector<16xf32>
      %parallel_loop3A_918 = vector.shape_cast %broadcast_in_dim3A_652 : vector<16x1xi32> to vector<16xi32>
      %parallel_loop3A_919 = tpu.dynamic_gather %parallel_loop3A_877[%parallel_loop3A_918] in [0] : vector<16xf32>, vector<16xi32> -> vector<16xf32>
      %parallel_loop3A_920 = arith.mulf %parallel_loop3A_919, %get3A_691 : vector<16xf32>
      %parallel_loop3A_921 = arith.subf %parallel_loop3A_920, %get3A_739 : vector<16xf32>
      %parallel_loop3A_922 = arith.mulf %parallel_loop3A_921, %parallel_loop3A_921 : vector<16xf32>
      %parallel_loop3A_923 = arith.addf %parallel_loop3A_911, %parallel_loop3A_922 : vector<16xf32>
      %parallel_loop3A_924 = vector.shape_cast %broadcast_in_dim3A_654 : vector<16x1xi32> to vector<16xi32>
      %parallel_loop3A_925 = tpu.dynamic_gather %parallel_loop3A_877[%parallel_loop3A_924] in [0] : vector<16xf32>, vector<16xi32> -> vector<16xf32>
      %parallel_loop3A_926 = arith.mulf %parallel_loop3A_925, %get3A_694 : vector<16xf32>
      %parallel_loop3A_927 = arith.subf %parallel_loop3A_926, %get3A_742 : vector<16xf32>
      %parallel_loop3A_928 = arith.mulf %parallel_loop3A_927, %parallel_loop3A_927 : vector<16xf32>
      %parallel_loop3A_929 = arith.addf %parallel_loop3A_917, %parallel_loop3A_928 : vector<16xf32>
      %parallel_loop3A_930 = vector.shape_cast %broadcast_in_dim3A_656 : vector<16x1xi32> to vector<16xi32>
      %parallel_loop3A_931 = tpu.dynamic_gather %parallel_loop3A_877[%parallel_loop3A_930] in [0] : vector<16xf32>, vector<16xi32> -> vector<16xf32>
      %parallel_loop3A_932 = arith.mulf %parallel_loop3A_931, %get3A_697 : vector<16xf32>
      %parallel_loop3A_933 = arith.subf %parallel_loop3A_932, %get3A_745 : vector<16xf32>
      %parallel_loop3A_934 = arith.mulf %parallel_loop3A_933, %parallel_loop3A_933 : vector<16xf32>
      %parallel_loop3A_935 = arith.addf %parallel_loop3A_923, %parallel_loop3A_934 : vector<16xf32>
      %parallel_loop3A_936 = vector.shape_cast %broadcast_in_dim3A_658 : vector<16x1xi32> to vector<16xi32>
      %parallel_loop3A_937 = tpu.dynamic_gather %parallel_loop3A_877[%parallel_loop3A_936] in [0] : vector<16xf32>, vector<16xi32> -> vector<16xf32>
      %parallel_loop3A_938 = arith.mulf %parallel_loop3A_937, %get3A_700 : vector<16xf32>
      %parallel_loop3A_939 = arith.subf %parallel_loop3A_938, %get3A_748 : vector<16xf32>
      %parallel_loop3A_940 = arith.mulf %parallel_loop3A_939, %parallel_loop3A_939 : vector<16xf32>
      %parallel_loop3A_941 = arith.addf %parallel_loop3A_929, %parallel_loop3A_940 : vector<16xf32>
      %parallel_loop3A_942 = vector.shape_cast %broadcast_in_dim3A_660 : vector<16x1xi32> to vector<16xi32>
      %parallel_loop3A_943 = tpu.dynamic_gather %parallel_loop3A_877[%parallel_loop3A_942] in [0] : vector<16xf32>, vector<16xi32> -> vector<16xf32>
      %parallel_loop3A_944 = arith.mulf %parallel_loop3A_943, %get3A_703 : vector<16xf32>
      %parallel_loop3A_945 = arith.subf %parallel_loop3A_944, %get3A_751 : vector<16xf32>
      %parallel_loop3A_946 = arith.mulf %parallel_loop3A_945, %parallel_loop3A_945 : vector<16xf32>
      %parallel_loop3A_947 = arith.addf %parallel_loop3A_935, %parallel_loop3A_946 : vector<16xf32>
      %parallel_loop3A_948 = vector.shape_cast %broadcast_in_dim3A_662 : vector<16x1xi32> to vector<16xi32>
      %parallel_loop3A_949 = tpu.dynamic_gather %parallel_loop3A_877[%parallel_loop3A_948] in [0] : vector<16xf32>, vector<16xi32> -> vector<16xf32>
      %parallel_loop3A_950 = arith.mulf %parallel_loop3A_949, %get3A_706 : vector<16xf32>
      %parallel_loop3A_951 = arith.subf %parallel_loop3A_950, %get3A_754 : vector<16xf32>
      %parallel_loop3A_952 = arith.mulf %parallel_loop3A_951, %parallel_loop3A_951 : vector<16xf32>
      %parallel_loop3A_953 = arith.addf %parallel_loop3A_941, %parallel_loop3A_952 : vector<16xf32>
      %parallel_loop3A_954 = vector.shape_cast %broadcast_in_dim3A_664 : vector<16x1xi32> to vector<16xi32>
      %parallel_loop3A_955 = tpu.dynamic_gather %parallel_loop3A_877[%parallel_loop3A_954] in [0] : vector<16xf32>, vector<16xi32> -> vector<16xf32>
      %parallel_loop3A_956 = arith.mulf %parallel_loop3A_955, %get3A_709 : vector<16xf32>
      %parallel_loop3A_957 = arith.subf %parallel_loop3A_956, %get3A_757 : vector<16xf32>
      %parallel_loop3A_958 = arith.mulf %parallel_loop3A_957, %parallel_loop3A_957 : vector<16xf32>
      %parallel_loop3A_959 = arith.addf %parallel_loop3A_947, %parallel_loop3A_958 : vector<16xf32>
      %parallel_loop3A_960 = vector.shape_cast %broadcast_in_dim3A_666 : vector<16x1xi32> to vector<16xi32>
      %parallel_loop3A_961 = tpu.dynamic_gather %parallel_loop3A_877[%parallel_loop3A_960] in [0] : vector<16xf32>, vector<16xi32> -> vector<16xf32>
      %parallel_loop3A_962 = arith.mulf %parallel_loop3A_961, %get3A_712 : vector<16xf32>
      %parallel_loop3A_963 = arith.subf %parallel_loop3A_962, %get3A_760 : vector<16xf32>
      %parallel_loop3A_964 = arith.mulf %parallel_loop3A_963, %parallel_loop3A_963 : vector<16xf32>
      %parallel_loop3A_965 = arith.addf %parallel_loop3A_953, %parallel_loop3A_964 : vector<16xf32>
      %parallel_loop3A_966 = vector.shape_cast %broadcast_in_dim3A_668 : vector<16x1xi32> to vector<16xi32>
      %parallel_loop3A_967 = tpu.dynamic_gather %parallel_loop3A_877[%parallel_loop3A_966] in [0] : vector<16xf32>, vector<16xi32> -> vector<16xf32>
      %parallel_loop3A_968 = arith.mulf %parallel_loop3A_967, %get3A_715 : vector<16xf32>
      %parallel_loop3A_969 = arith.subf %parallel_loop3A_968, %get3A_763 : vector<16xf32>
      %parallel_loop3A_970 = arith.mulf %parallel_loop3A_969, %parallel_loop3A_969 : vector<16xf32>
      %parallel_loop3A_971 = arith.addf %parallel_loop3A_959, %parallel_loop3A_970 : vector<16xf32>
      %parallel_loop3A_972 = vector.shape_cast %broadcast_in_dim3A_670 : vector<16x1xi32> to vector<16xi32>
      %parallel_loop3A_973 = tpu.dynamic_gather %parallel_loop3A_877[%parallel_loop3A_972] in [0] : vector<16xf32>, vector<16xi32> -> vector<16xf32>
      %parallel_loop3A_974 = arith.mulf %parallel_loop3A_973, %get3A_718 : vector<16xf32>
      %parallel_loop3A_975 = arith.subf %parallel_loop3A_974, %get3A_766 : vector<16xf32>
      %parallel_loop3A_976 = arith.mulf %parallel_loop3A_975, %parallel_loop3A_975 : vector<16xf32>
      %parallel_loop3A_977 = arith.addf %parallel_loop3A_965, %parallel_loop3A_976 : vector<16xf32>
      %parallel_loop3A_978 = arith.addf %parallel_loop3A_971, %parallel_loop3A_977 : vector<16xf32>
      %parallel_loop3A_979 = arith.constant 16 : i32
      %parallel_loop3A_980 = arith.muli %parallel_loop3A_870, %parallel_loop3A_979 : i32
      %parallel_loop3A_981 = arith.index_cast %parallel_loop3A_980 : i32 to index
      %parallel_loop3A_982 = tpu.vector_load %arg7[%parallel_loop3A_981] {strides = array<i32>} : memref<2048xf32, #tpu.memory_space<vmem>>, vector<16xf32>,
      %parallel_loop3A_983 = vector.shape_cast %parallel_loop3A_982 : vector<16xf32> to vector<16xf32>
      %parallel_loop3A_984 = vector.shape_cast %parallel_loop3A_978 : vector<16xf32> to vector<16xf32>
      tpu.vector_store %arg7[%parallel_loop3A_981], %parallel_loop3A_984 {strides = array<i32>} : memref<2048xf32, #tpu.memory_space<vmem>>, vector<16xf32>,
    } {sc.loop_unroll_factor = 2 : i64, sc.parallel_access}
    %get3A_769 = arith.constant 256 : index
    %get3A_770 = tpu.vector_load %arg8[%get3A_769] {strides = array<i32>} : memref<512xf32, #tpu.memory_space<vmem>>, vector<16xf32>,
    %get3A_771 = vector.shape_cast %get3A_770 : vector<16xf32> to vector<16xf32>
    %get3A_772 = arith.constant 272 : index
    %get3A_773 = tpu.vector_load %arg8[%get3A_772] {strides = array<i32>} : memref<512xf32, #tpu.memory_space<vmem>>, vector<16xf32>,
    %get3A_774 = vector.shape_cast %get3A_773 : vector<16xf32> to vector<16xf32>
    %get3A_775 = arith.constant 288 : index
    %get3A_776 = tpu.vector_load %arg8[%get3A_775] {strides = array<i32>} : memref<512xf32, #tpu.memory_space<vmem>>, vector<16xf32>,
    %get3A_777 = vector.shape_cast %get3A_776 : vector<16xf32> to vector<16xf32>
    %get3A_778 = arith.constant 304 : index
    %get3A_779 = tpu.vector_load %arg8[%get3A_778] {strides = array<i32>} : memref<512xf32, #tpu.memory_space<vmem>>, vector<16xf32>,
    %get3A_780 = vector.shape_cast %get3A_779 : vector<16xf32> to vector<16xf32>
    %get3A_781 = arith.constant 320 : index
    %get3A_782 = tpu.vector_load %arg8[%get3A_781] {strides = array<i32>} : memref<512xf32, #tpu.memory_space<vmem>>, vector<16xf32>,
    %get3A_783 = vector.shape_cast %get3A_782 : vector<16xf32> to vector<16xf32>
    %get3A_784 = arith.constant 336 : index
    %get3A_785 = tpu.vector_load %arg8[%get3A_784] {strides = array<i32>} : memref<512xf32, #tpu.memory_space<vmem>>, vector<16xf32>,
    %get3A_786 = vector.shape_cast %get3A_785 : vector<16xf32> to vector<16xf32>
    %get3A_787 = arith.constant 352 : index
    %get3A_788 = tpu.vector_load %arg8[%get3A_787] {strides = array<i32>} : memref<512xf32, #tpu.memory_space<vmem>>, vector<16xf32>,
    %get3A_789 = vector.shape_cast %get3A_788 : vector<16xf32> to vector<16xf32>
    %get3A_790 = arith.constant 368 : index
    %get3A_791 = tpu.vector_load %arg8[%get3A_790] {strides = array<i32>} : memref<512xf32, #tpu.memory_space<vmem>>, vector<16xf32>,
    %get3A_792 = vector.shape_cast %get3A_791 : vector<16xf32> to vector<16xf32>
    %get3A_793 = arith.constant 384 : index
    %get3A_794 = tpu.vector_load %arg8[%get3A_793] {strides = array<i32>} : memref<512xf32, #tpu.memory_space<vmem>>, vector<16xf32>,
    %get3A_795 = vector.shape_cast %get3A_794 : vector<16xf32> to vector<16xf32>
    %get3A_796 = arith.constant 400 : index
    %get3A_797 = tpu.vector_load %arg8[%get3A_796] {strides = array<i32>} : memref<512xf32, #tpu.memory_space<vmem>>, vector<16xf32>,
    %get3A_798 = vector.shape_cast %get3A_797 : vector<16xf32> to vector<16xf32>
    %get3A_799 = arith.constant 416 : index
    %get3A_800 = tpu.vector_load %arg8[%get3A_799] {strides = array<i32>} : memref<512xf32, #tpu.memory_space<vmem>>, vector<16xf32>,
    %get3A_801 = vector.shape_cast %get3A_800 : vector<16xf32> to vector<16xf32>
    %get3A_802 = arith.constant 432 : index
    %get3A_803 = tpu.vector_load %arg8[%get3A_802] {strides = array<i32>} : memref<512xf32, #tpu.memory_space<vmem>>, vector<16xf32>,
    %get3A_804 = vector.shape_cast %get3A_803 : vector<16xf32> to vector<16xf32>
    %get3A_805 = arith.constant 448 : index
    %get3A_806 = tpu.vector_load %arg8[%get3A_805] {strides = array<i32>} : memref<512xf32, #tpu.memory_space<vmem>>, vector<16xf32>,
    %get3A_807 = vector.shape_cast %get3A_806 : vector<16xf32> to vector<16xf32>
    %get3A_808 = arith.constant 464 : index
    %get3A_809 = tpu.vector_load %arg8[%get3A_808] {strides = array<i32>} : memref<512xf32, #tpu.memory_space<vmem>>, vector<16xf32>,
    %get3A_810 = vector.shape_cast %get3A_809 : vector<16xf32> to vector<16xf32>
    %get3A_811 = arith.constant 480 : index
    %get3A_812 = tpu.vector_load %arg8[%get3A_811] {strides = array<i32>} : memref<512xf32, #tpu.memory_space<vmem>>, vector<16xf32>,
    %get3A_813 = vector.shape_cast %get3A_812 : vector<16xf32> to vector<16xf32>
    %get3A_814 = arith.constant 496 : index
    %get3A_815 = tpu.vector_load %arg8[%get3A_814] {strides = array<i32>} : memref<512xf32, #tpu.memory_space<vmem>>, vector<16xf32>,
    %get3A_816 = vector.shape_cast %get3A_815 : vector<16xf32> to vector<16xf32>
    %get3A_817 = arith.constant 256 : index
    %get3A_818 = tpu.vector_load %arg9[%get3A_817] {strides = array<i32>} : memref<512xf32, #tpu.memory_space<vmem>>, vector<16xf32>,
    %get3A_819 = vector.shape_cast %get3A_818 : vector<16xf32> to vector<16xf32>
    %get3A_820 = arith.constant 272 : index
    %get3A_821 = tpu.vector_load %arg9[%get3A_820] {strides = array<i32>} : memref<512xf32, #tpu.memory_space<vmem>>, vector<16xf32>,
    %get3A_822 = vector.shape_cast %get3A_821 : vector<16xf32> to vector<16xf32>
    %get3A_823 = arith.constant 288 : index
    %get3A_824 = tpu.vector_load %arg9[%get3A_823] {strides = array<i32>} : memref<512xf32, #tpu.memory_space<vmem>>, vector<16xf32>,
    %get3A_825 = vector.shape_cast %get3A_824 : vector<16xf32> to vector<16xf32>
    %get3A_826 = arith.constant 304 : index
    %get3A_827 = tpu.vector_load %arg9[%get3A_826] {strides = array<i32>} : memref<512xf32, #tpu.memory_space<vmem>>, vector<16xf32>,
    %get3A_828 = vector.shape_cast %get3A_827 : vector<16xf32> to vector<16xf32>
    %get3A_829 = arith.constant 320 : index
    %get3A_830 = tpu.vector_load %arg9[%get3A_829] {strides = array<i32>} : memref<512xf32, #tpu.memory_space<vmem>>, vector<16xf32>,
    %get3A_831 = vector.shape_cast %get3A_830 : vector<16xf32> to vector<16xf32>
    %get3A_832 = arith.constant 336 : index
    %get3A_833 = tpu.vector_load %arg9[%get3A_832] {strides = array<i32>} : memref<512xf32, #tpu.memory_space<vmem>>, vector<16xf32>,
    %get3A_834 = vector.shape_cast %get3A_833 : vector<16xf32> to vector<16xf32>
    %get3A_835 = arith.constant 352 : index
    %get3A_836 = tpu.vector_load %arg9[%get3A_835] {strides = array<i32>} : memref<512xf32, #tpu.memory_space<vmem>>, vector<16xf32>,
    %get3A_837 = vector.shape_cast %get3A_836 : vector<16xf32> to vector<16xf32>
    %get3A_838 = arith.constant 368 : index
    %get3A_839 = tpu.vector_load %arg9[%get3A_838] {strides = array<i32>} : memref<512xf32, #tpu.memory_space<vmem>>, vector<16xf32>,
    %get3A_840 = vector.shape_cast %get3A_839 : vector<16xf32> to vector<16xf32>
    %get3A_841 = arith.constant 384 : index
    %get3A_842 = tpu.vector_load %arg9[%get3A_841] {strides = array<i32>} : memref<512xf32, #tpu.memory_space<vmem>>, vector<16xf32>,
    %get3A_843 = vector.shape_cast %get3A_842 : vector<16xf32> to vector<16xf32>
    %get3A_844 = arith.constant 400 : index
    %get3A_845 = tpu.vector_load %arg9[%get3A_844] {strides = array<i32>} : memref<512xf32, #tpu.memory_space<vmem>>, vector<16xf32>,
    %get3A_846 = vector.shape_cast %get3A_845 : vector<16xf32> to vector<16xf32>
    %get3A_847 = arith.constant 416 : index
    %get3A_848 = tpu.vector_load %arg9[%get3A_847] {strides = array<i32>} : memref<512xf32, #tpu.memory_space<vmem>>, vector<16xf32>,
    %get3A_849 = vector.shape_cast %get3A_848 : vector<16xf32> to vector<16xf32>
    %get3A_850 = arith.constant 432 : index
    %get3A_851 = tpu.vector_load %arg9[%get3A_850] {strides = array<i32>} : memref<512xf32, #tpu.memory_space<vmem>>, vector<16xf32>,
    %get3A_852 = vector.shape_cast %get3A_851 : vector<16xf32> to vector<16xf32>
    %get3A_853 = arith.constant 448 : index
    %get3A_854 = tpu.vector_load %arg9[%get3A_853] {strides = array<i32>} : memref<512xf32, #tpu.memory_space<vmem>>, vector<16xf32>,
    %get3A_855 = vector.shape_cast %get3A_854 : vector<16xf32> to vector<16xf32>
    %get3A_856 = arith.constant 464 : index
    %get3A_857 = tpu.vector_load %arg9[%get3A_856] {strides = array<i32>} : memref<512xf32, #tpu.memory_space<vmem>>, vector<16xf32>,
    %get3A_858 = vector.shape_cast %get3A_857 : vector<16xf32> to vector<16xf32>
    %get3A_859 = arith.constant 480 : index
    %get3A_860 = tpu.vector_load %arg9[%get3A_859] {strides = array<i32>} : memref<512xf32, #tpu.memory_space<vmem>>, vector<16xf32>,
    %get3A_861 = vector.shape_cast %get3A_860 : vector<16xf32> to vector<16xf32>
    %get3A_862 = arith.constant 496 : index
    %get3A_863 = tpu.vector_load %arg9[%get3A_862] {strides = array<i32>} : memref<512xf32, #tpu.memory_space<vmem>>, vector<16xf32>,
    %get3A_864 = vector.shape_cast %get3A_863 : vector<16xf32> to vector<16xf32>
    %parallel_loop3A_865 = arith.constant 0 : i32
    %parallel_loop3A_866 = arith.constant 128 : i32
    %parallel_loop3A_867 = arith.constant 1 : i32
    scf.for %parallel_loop3A_870 = %parallel_loop3A_865 to %parallel_loop3A_866 step %parallel_loop3A_867  : i32 {
      %parallel_loop3A_871 = arith.constant 32 : i32
      %parallel_loop3A_872 = arith.muli %parallel_loop3A_870, %parallel_loop3A_871 : i32
      %parallel_loop3A_873 = arith.constant 16 : i32
      %parallel_loop3A_874 = arith.addi %parallel_loop3A_872, %parallel_loop3A_873 : i32
      %parallel_loop3A_875 = arith.index_cast %parallel_loop3A_874 : i32 to index
      %parallel_loop3A_876 = tpu.vector_load %arg6[%parallel_loop3A_875] {strides = array<i32>} : memref<4096xf32, #tpu.memory_space<vmem>>, vector<16xf32>,
      %parallel_loop3A_877 = vector.shape_cast %parallel_loop3A_876 : vector<16xf32> to vector<16xf32>
      %parallel_loop3A_878 = arith.constant 16 : i32
      %parallel_loop3A_879 = arith.muli %parallel_loop3A_870, %parallel_loop3A_878 : i32
      %parallel_loop3A_880 = arith.index_cast %parallel_loop3A_879 : i32 to index
      %parallel_loop3A_881 = tpu.vector_load %arg7[%parallel_loop3A_880] {strides = array<i32>} : memref<2048xf32, #tpu.memory_space<vmem>>, vector<16xf32>,
      %parallel_loop3A_882 = vector.shape_cast %parallel_loop3A_881 : vector<16xf32> to vector<16xf32>
      %parallel_loop3A_883 = arith.constant 0.000000e+00 : f32
      %parallel_loop3A_884 = vector.broadcast %parallel_loop3A_883 : f32 to vector<16xf32>
      %parallel_loop3A_885 = vector.shape_cast %broadcast_in_dim3A_640 : vector<16x1xi32> to vector<16xi32>
      %parallel_loop3A_886 = tpu.dynamic_gather %parallel_loop3A_877[%parallel_loop3A_885] in [0] : vector<16xf32>, vector<16xi32> -> vector<16xf32>
      %parallel_loop3A_887 = arith.mulf %parallel_loop3A_886, %get3A_771 : vector<16xf32>
      %parallel_loop3A_888 = arith.subf %parallel_loop3A_887, %get3A_819 : vector<16xf32>
      %parallel_loop3A_889 = arith.mulf %parallel_loop3A_888, %parallel_loop3A_888 : vector<16xf32>
      %parallel_loop3A_890 = arith.addf %parallel_loop3A_882, %parallel_loop3A_889 : vector<16xf32>
      %parallel_loop3A_891 = vector.shape_cast %broadcast_in_dim3A_642 : vector<16x1xi32> to vector<16xi32>
      %parallel_loop3A_892 = tpu.dynamic_gather %parallel_loop3A_877[%parallel_loop3A_891] in [0] : vector<16xf32>, vector<16xi32> -> vector<16xf32>
      %parallel_loop3A_893 = arith.mulf %parallel_loop3A_892, %get3A_774 : vector<16xf32>
      %parallel_loop3A_894 = arith.subf %parallel_loop3A_893, %get3A_822 : vector<16xf32>
      %parallel_loop3A_895 = arith.mulf %parallel_loop3A_894, %parallel_loop3A_894 : vector<16xf32>
      %parallel_loop3A_896 = arith.addf %parallel_loop3A_884, %parallel_loop3A_895 : vector<16xf32>
      %parallel_loop3A_897 = vector.shape_cast %broadcast_in_dim3A_644 : vector<16x1xi32> to vector<16xi32>
      %parallel_loop3A_898 = tpu.dynamic_gather %parallel_loop3A_877[%parallel_loop3A_897] in [0] : vector<16xf32>, vector<16xi32> -> vector<16xf32>
      %parallel_loop3A_899 = arith.mulf %parallel_loop3A_898, %get3A_777 : vector<16xf32>
      %parallel_loop3A_900 = arith.subf %parallel_loop3A_899, %get3A_825 : vector<16xf32>
      %parallel_loop3A_901 = arith.mulf %parallel_loop3A_900, %parallel_loop3A_900 : vector<16xf32>
      %parallel_loop3A_902 = arith.addf %parallel_loop3A_890, %parallel_loop3A_901 : vector<16xf32>
      %parallel_loop3A_903 = vector.shape_cast %broadcast_in_dim3A_646 : vector<16x1xi32> to vector<16xi32>
      %parallel_loop3A_904 = tpu.dynamic_gather %parallel_loop3A_877[%parallel_loop3A_903] in [0] : vector<16xf32>, vector<16xi32> -> vector<16xf32>
      %parallel_loop3A_905 = arith.mulf %parallel_loop3A_904, %get3A_780 : vector<16xf32>
      %parallel_loop3A_906 = arith.subf %parallel_loop3A_905, %get3A_828 : vector<16xf32>
      %parallel_loop3A_907 = arith.mulf %parallel_loop3A_906, %parallel_loop3A_906 : vector<16xf32>
      %parallel_loop3A_908 = arith.addf %parallel_loop3A_896, %parallel_loop3A_907 : vector<16xf32>
      %parallel_loop3A_909 = vector.shape_cast %broadcast_in_dim3A_648 : vector<16x1xi32> to vector<16xi32>
      %parallel_loop3A_910 = tpu.dynamic_gather %parallel_loop3A_877[%parallel_loop3A_909] in [0] : vector<16xf32>, vector<16xi32> -> vector<16xf32>
      %parallel_loop3A_911 = arith.mulf %parallel_loop3A_910, %get3A_783 : vector<16xf32>
      %parallel_loop3A_912 = arith.subf %parallel_loop3A_911, %get3A_831 : vector<16xf32>
      %parallel_loop3A_913 = arith.mulf %parallel_loop3A_912, %parallel_loop3A_912 : vector<16xf32>
      %parallel_loop3A_914 = arith.addf %parallel_loop3A_902, %parallel_loop3A_913 : vector<16xf32>
      %parallel_loop3A_915 = vector.shape_cast %broadcast_in_dim3A_650 : vector<16x1xi32> to vector<16xi32>
      %parallel_loop3A_916 = tpu.dynamic_gather %parallel_loop3A_877[%parallel_loop3A_915] in [0] : vector<16xf32>, vector<16xi32> -> vector<16xf32>
      %parallel_loop3A_917 = arith.mulf %parallel_loop3A_916, %get3A_786 : vector<16xf32>
      %parallel_loop3A_918 = arith.subf %parallel_loop3A_917, %get3A_834 : vector<16xf32>
      %parallel_loop3A_919 = arith.mulf %parallel_loop3A_918, %parallel_loop3A_918 : vector<16xf32>
      %parallel_loop3A_920 = arith.addf %parallel_loop3A_908, %parallel_loop3A_919 : vector<16xf32>
      %parallel_loop3A_921 = vector.shape_cast %broadcast_in_dim3A_652 : vector<16x1xi32> to vector<16xi32>
      %parallel_loop3A_922 = tpu.dynamic_gather %parallel_loop3A_877[%parallel_loop3A_921] in [0] : vector<16xf32>, vector<16xi32> -> vector<16xf32>
      %parallel_loop3A_923 = arith.mulf %parallel_loop3A_922, %get3A_789 : vector<16xf32>
      %parallel_loop3A_924 = arith.subf %parallel_loop3A_923, %get3A_837 : vector<16xf32>
      %parallel_loop3A_925 = arith.mulf %parallel_loop3A_924, %parallel_loop3A_924 : vector<16xf32>
      %parallel_loop3A_926 = arith.addf %parallel_loop3A_914, %parallel_loop3A_925 : vector<16xf32>
      %parallel_loop3A_927 = vector.shape_cast %broadcast_in_dim3A_654 : vector<16x1xi32> to vector<16xi32>
      %parallel_loop3A_928 = tpu.dynamic_gather %parallel_loop3A_877[%parallel_loop3A_927] in [0] : vector<16xf32>, vector<16xi32> -> vector<16xf32>
      %parallel_loop3A_929 = arith.mulf %parallel_loop3A_928, %get3A_792 : vector<16xf32>
      %parallel_loop3A_930 = arith.subf %parallel_loop3A_929, %get3A_840 : vector<16xf32>
      %parallel_loop3A_931 = arith.mulf %parallel_loop3A_930, %parallel_loop3A_930 : vector<16xf32>
      %parallel_loop3A_932 = arith.addf %parallel_loop3A_920, %parallel_loop3A_931 : vector<16xf32>
      %parallel_loop3A_933 = vector.shape_cast %broadcast_in_dim3A_656 : vector<16x1xi32> to vector<16xi32>
      %parallel_loop3A_934 = tpu.dynamic_gather %parallel_loop3A_877[%parallel_loop3A_933] in [0] : vector<16xf32>, vector<16xi32> -> vector<16xf32>
      %parallel_loop3A_935 = arith.mulf %parallel_loop3A_934, %get3A_795 : vector<16xf32>
      %parallel_loop3A_936 = arith.subf %parallel_loop3A_935, %get3A_843 : vector<16xf32>
      %parallel_loop3A_937 = arith.mulf %parallel_loop3A_936, %parallel_loop3A_936 : vector<16xf32>
      %parallel_loop3A_938 = arith.addf %parallel_loop3A_926, %parallel_loop3A_937 : vector<16xf32>
      %parallel_loop3A_939 = vector.shape_cast %broadcast_in_dim3A_658 : vector<16x1xi32> to vector<16xi32>
      %parallel_loop3A_940 = tpu.dynamic_gather %parallel_loop3A_877[%parallel_loop3A_939] in [0] : vector<16xf32>, vector<16xi32> -> vector<16xf32>
      %parallel_loop3A_941 = arith.mulf %parallel_loop3A_940, %get3A_798 : vector<16xf32>
      %parallel_loop3A_942 = arith.subf %parallel_loop3A_941, %get3A_846 : vector<16xf32>
      %parallel_loop3A_943 = arith.mulf %parallel_loop3A_942, %parallel_loop3A_942 : vector<16xf32>
      %parallel_loop3A_944 = arith.addf %parallel_loop3A_932, %parallel_loop3A_943 : vector<16xf32>
      %parallel_loop3A_945 = vector.shape_cast %broadcast_in_dim3A_660 : vector<16x1xi32> to vector<16xi32>
      %parallel_loop3A_946 = tpu.dynamic_gather %parallel_loop3A_877[%parallel_loop3A_945] in [0] : vector<16xf32>, vector<16xi32> -> vector<16xf32>
      %parallel_loop3A_947 = arith.mulf %parallel_loop3A_946, %get3A_801 : vector<16xf32>
      %parallel_loop3A_948 = arith.subf %parallel_loop3A_947, %get3A_849 : vector<16xf32>
      %parallel_loop3A_949 = arith.mulf %parallel_loop3A_948, %parallel_loop3A_948 : vector<16xf32>
      %parallel_loop3A_950 = arith.addf %parallel_loop3A_938, %parallel_loop3A_949 : vector<16xf32>
      %parallel_loop3A_951 = vector.shape_cast %broadcast_in_dim3A_662 : vector<16x1xi32> to vector<16xi32>
      %parallel_loop3A_952 = tpu.dynamic_gather %parallel_loop3A_877[%parallel_loop3A_951] in [0] : vector<16xf32>, vector<16xi32> -> vector<16xf32>
      %parallel_loop3A_953 = arith.mulf %parallel_loop3A_952, %get3A_804 : vector<16xf32>
      %parallel_loop3A_954 = arith.subf %parallel_loop3A_953, %get3A_852 : vector<16xf32>
      %parallel_loop3A_955 = arith.mulf %parallel_loop3A_954, %parallel_loop3A_954 : vector<16xf32>
      %parallel_loop3A_956 = arith.addf %parallel_loop3A_944, %parallel_loop3A_955 : vector<16xf32>
      %parallel_loop3A_957 = vector.shape_cast %broadcast_in_dim3A_664 : vector<16x1xi32> to vector<16xi32>
      %parallel_loop3A_958 = tpu.dynamic_gather %parallel_loop3A_877[%parallel_loop3A_957] in [0] : vector<16xf32>, vector<16xi32> -> vector<16xf32>
      %parallel_loop3A_959 = arith.mulf %parallel_loop3A_958, %get3A_807 : vector<16xf32>
      %parallel_loop3A_960 = arith.subf %parallel_loop3A_959, %get3A_855 : vector<16xf32>
      %parallel_loop3A_961 = arith.mulf %parallel_loop3A_960, %parallel_loop3A_960 : vector<16xf32>
      %parallel_loop3A_962 = arith.addf %parallel_loop3A_950, %parallel_loop3A_961 : vector<16xf32>
      %parallel_loop3A_963 = vector.shape_cast %broadcast_in_dim3A_666 : vector<16x1xi32> to vector<16xi32>
      %parallel_loop3A_964 = tpu.dynamic_gather %parallel_loop3A_877[%parallel_loop3A_963] in [0] : vector<16xf32>, vector<16xi32> -> vector<16xf32>
      %parallel_loop3A_965 = arith.mulf %parallel_loop3A_964, %get3A_810 : vector<16xf32>
      %parallel_loop3A_966 = arith.subf %parallel_loop3A_965, %get3A_858 : vector<16xf32>
      %parallel_loop3A_967 = arith.mulf %parallel_loop3A_966, %parallel_loop3A_966 : vector<16xf32>
      %parallel_loop3A_968 = arith.addf %parallel_loop3A_956, %parallel_loop3A_967 : vector<16xf32>
      %parallel_loop3A_969 = vector.shape_cast %broadcast_in_dim3A_668 : vector<16x1xi32> to vector<16xi32>
      %parallel_loop3A_970 = tpu.dynamic_gather %parallel_loop3A_877[%parallel_loop3A_969] in [0] : vector<16xf32>, vector<16xi32> -> vector<16xf32>
      %parallel_loop3A_971 = arith.mulf %parallel_loop3A_970, %get3A_813 : vector<16xf32>
      %parallel_loop3A_972 = arith.subf %parallel_loop3A_971, %get3A_861 : vector<16xf32>
      %parallel_loop3A_973 = arith.mulf %parallel_loop3A_972, %parallel_loop3A_972 : vector<16xf32>
      %parallel_loop3A_974 = arith.addf %parallel_loop3A_962, %parallel_loop3A_973 : vector<16xf32>
      %parallel_loop3A_975 = vector.shape_cast %broadcast_in_dim3A_670 : vector<16x1xi32> to vector<16xi32>
      %parallel_loop3A_976 = tpu.dynamic_gather %parallel_loop3A_877[%parallel_loop3A_975] in [0] : vector<16xf32>, vector<16xi32> -> vector<16xf32>
      %parallel_loop3A_977 = arith.mulf %parallel_loop3A_976, %get3A_816 : vector<16xf32>
      %parallel_loop3A_978 = arith.subf %parallel_loop3A_977, %get3A_864 : vector<16xf32>
      %parallel_loop3A_979 = arith.mulf %parallel_loop3A_978, %parallel_loop3A_978 : vector<16xf32>
      %parallel_loop3A_980 = arith.addf %parallel_loop3A_968, %parallel_loop3A_979 : vector<16xf32>
      %parallel_loop3A_981 = arith.addf %parallel_loop3A_974, %parallel_loop3A_980 : vector<16xf32>
      %parallel_loop3A_982 = arith.constant 5.000000e-01 : f32
      %parallel_loop3A_983 = vector.broadcast %parallel_loop3A_982 : f32 to vector<16xf32>
      %parallel_loop3A_984 = arith.mulf %parallel_loop3A_983, %parallel_loop3A_981 : vector<16xf32>
      %parallel_loop3A_985 = arith.subf %sub3A_629, %parallel_loop3A_984 : vector<16xf32>
      %parallel_loop3A_986 = arith.constant 16 : i32
      %parallel_loop3A_987 = arith.muli %parallel_loop3A_870, %parallel_loop3A_986 : i32
      %parallel_loop3A_988 = arith.index_cast %parallel_loop3A_987 : i32 to index
      %parallel_loop3A_989 = tpu.vector_load %arg7[%parallel_loop3A_988] {strides = array<i32>} : memref<2048xf32, #tpu.memory_space<vmem>>, vector<16xf32>,
      %parallel_loop3A_990 = vector.shape_cast %parallel_loop3A_989 : vector<16xf32> to vector<16xf32>
      %parallel_loop3A_991 = vector.shape_cast %parallel_loop3A_985 : vector<16xf32> to vector<16xf32>
      tpu.vector_store %arg7[%parallel_loop3A_988], %parallel_loop3A_991 {strides = array<i32>} : memref<2048xf32, #tpu.memory_space<vmem>>, vector<16xf32>,
    } {sc.loop_unroll_factor = 2 : i64, sc.parallel_access}
    %mul3A_868 = arith.constant 16 : i32
    %mul3A_869 = arith.muli %mul3A_0, %mul3A_868 : i32
    "tpu.region"() ({
      %run_scoped3A = tpu.sem_alloc : memref<!tpu.dma_semaphore, #tpu.memory_space<semaphore_mem>>
      %dma_start3A = tpu.memref_slice %arg5[%mul3A_869] : memref<32768xf32, #tpu.memory_space<hbm>> -> memref<2048xf32, #tpu.memory_space<hbm>>
      %dma_start3A_870 = tpu.memref_slice %arg5[%mul3A_869] : memref<32768xf32, #tpu.memory_space<hbm>> -> memref<2048xf32, #tpu.memory_space<hbm>>
      tpu.enqueue_dma source(%arg7 : memref<2048xf32, #tpu.memory_space<vmem>>) target(%dma_start3A_870 : memref<2048xf32, #tpu.memory_space<hbm>>) target_semaphore(%run_scoped3A : memref<!tpu.dma_semaphore, #tpu.memory_space<semaphore_mem>>)
      %dma_wait3A = tpu.memref_slice %arg5[%mul3A_869] : memref<32768xf32, #tpu.memory_space<hbm>> -> memref<2048xf32, #tpu.memory_space<hbm>>
      %dma_wait3A_871 = tpu.memref_slice %arg5[%mul3A_869] : memref<32768xf32, #tpu.memory_space<hbm>> -> memref<2048xf32, #tpu.memory_space<hbm>>
      tpu.wait_dma2 semaphore(%run_scoped3A : memref<!tpu.dma_semaphore, #tpu.memory_space<semaphore_mem>>) src(%arg7 : memref<2048xf32, #tpu.memory_space<vmem>>) dst(%dma_wait3A_871 : memref<2048xf32, #tpu.memory_space<hbm>>)
      tpu.yield
    }) : () -> ()
    return
  }
}

module attributes {stable_mosaic.version = 14 : i64} {
  func.func @_tc_body(%arg0: i32, %arg1: memref<6144x32xf32, #tpu.memory_space<vmem>>, %arg2: memref<16x32xf32, #tpu.memory_space<vmem>>, %arg3: memref<16x32xf32, #tpu.memory_space<vmem>>, %arg4: memref<6144x16xf32, #tpu.memory_space<vmem>>) attributes {dimension_semantics = [#tpu.dimension_semantics<arbitrary>], iteration_bounds = array<i64: 5>, scalar_prefetch = 0 : i64, scratch_operands = 0 : i64, tpu.core_type = #tpu.core_type<tc>, window_params = [{transform_indices = @transform_0, window_bounds = array<i64: 6144, 32>}, {pipeline_mode = #tpu.pipeline_mode<synchronous>, transform_indices = @transform_1, window_bounds = array<i64: 16, 32>}, {pipeline_mode = #tpu.pipeline_mode<synchronous>, transform_indices = @transform_2, window_bounds = array<i64: 16, 32>}, {transform_indices = @transform_3, window_bounds = array<i64: 6144, 16>}]} {
    %get3A = arith.constant 0 : index
    %get3A_0 = arith.constant 0 : index
    %get3A_1 = vector.load %arg2[%get3A, %get3A_0] : memref<16x32xf32, #tpu.memory_space<vmem>>, vector<16x32xf32>
    %get3A_2 = arith.constant 0 : index
    %get3A_3 = arith.constant 0 : index
    %get3A_4 = vector.load %arg3[%get3A_2, %get3A_3] : memref<16x32xf32, #tpu.memory_space<vmem>>, vector<16x32xf32>
    %mul3A = arith.constant -2.000000e+00 : f32
    %mul3A_5 = vector.broadcast %mul3A : f32 to vector<16x32xf32>
    %mul3A_6 = arith.mulf %mul3A_5, %get3A_4 : vector<16x32xf32>
    %exp3A = math.exp %mul3A_6 : vector<16x32xf32>
    %mul3A_7 = arith.constant -5.000000e-01 : f32
    %mul3A_8 = vector.broadcast %mul3A_7 : f32 to vector<16x32xf32>
    %mul3A_9 = arith.mulf %mul3A_8, %get3A_1 : vector<16x32xf32>
    %mul3A_10 = arith.mulf %mul3A_9, %get3A_1 : vector<16x32xf32>
    %mul3A_11 = arith.mulf %mul3A_10, %exp3A : vector<16x32xf32>
    %sub3A = arith.subf %mul3A_11, %get3A_4 : vector<16x32xf32>
    %reduce_sum3A = arith.constant dense<0.000000e+00> : vector<16xf32>
    %reduce_sum3A_12 = vector.multi_reduction <add>, %sub3A, %reduce_sum3A [1] : vector<16x32xf32> to vector<16xf32>
    %sub3A_13 = arith.constant 29.4060326 : f32
    %sub3A_14 = vector.broadcast %sub3A_13 : f32 to vector<16xf32>
    %sub3A_15 = arith.subf %reduce_sum3A_12, %sub3A_14 : vector<16xf32>
    %get3A_16 = arith.constant 0 : index
    %get3A_17 = arith.constant 0 : index
    %get3A_18 = vector.load %arg1[%get3A_16, %get3A_17] : memref<6144x32xf32, #tpu.memory_space<vmem>>, vector<6144x32xf32>
    %mul3A_19 = arith.mulf %get3A_1, %exp3A : vector<16x32xf32>
    %mul3A_20 = arith.constant -5.000000e-01 : f32
    %mul3A_21 = vector.broadcast %mul3A_20 : f32 to vector<16x32xf32>
    %mul3A_22 = arith.mulf %mul3A_21, %exp3A : vector<16x32xf32>
    %dot_general3A = arith.constant dense<0.000000e+00> : vector<6144x16xf32>
    %dot_general3A_23 = tpu.matmul %get3A_18, %mul3A_19, %dot_general3A {dimension_numbers = #tpu.dot_dimension_numbers<[1], [1], [0], [0], [0, 0, 1, 0], [], []>, transpose_lhs_hint = false} : vector<6144x32xf32>, vector<16x32xf32>, vector<6144x16xf32> -> vector<6144x16xf32>
    %mul3A_24 = arith.mulf %get3A_18, %get3A_18 : vector<6144x32xf32>
    %dot_general3A_25 = arith.constant dense<0.000000e+00> : vector<6144x16xf32>
    %dot_general3A_26 = tpu.matmul %mul3A_24, %mul3A_22, %dot_general3A_25 {dimension_numbers = #tpu.dot_dimension_numbers<[1], [1], [0], [0], [0, 0, 1, 0], [], []>, transpose_lhs_hint = false} : vector<6144x32xf32>, vector<16x32xf32>, vector<6144x16xf32> -> vector<6144x16xf32>
    %add3A = arith.addf %dot_general3A_23, %dot_general3A_26 : vector<6144x16xf32>
    %broadcast_in_dim3A = vector.shape_cast %sub3A_15 : vector<16xf32> to vector<1x16xf32>
    %add3A_27 = vector.broadcast %broadcast_in_dim3A : vector<1x16xf32> to vector<6144x16xf32>
    %add3A_28 = arith.addf %add3A, %add3A_27 : vector<6144x16xf32>
    %swap3A = arith.constant 0 : index
    %swap3A_29 = arith.constant 0 : index
    %swap3A_30 = vector.load %arg4[%swap3A, %swap3A_29] : memref<6144x16xf32, #tpu.memory_space<vmem>>, vector<6144x16xf32>
    tpu.vector_store %arg4[%swap3A, %swap3A_29], %add3A_28 {strides = array<i32>} : memref<6144x16xf32, #tpu.memory_space<vmem>>, vector<6144x16xf32>,
    return
  }
  func.func @transform_0(%arg0: i32) -> (i32, i32) {
    %c0_i32 = arith.constant 0 : i32
    %c0_i32_0 = arith.constant 0 : i32
    return %arg0, %c0_i32 : i32, i32
  }
  func.func @transform_1(%arg0: i32) -> (i32, i32) {
    %c0_i32 = arith.constant 0 : i32
    %c0_i32_0 = arith.constant 0 : i32
    %c0_i32_1 = arith.constant 0 : i32
    return %c0_i32, %c0_i32_0 : i32, i32
  }
  func.func @transform_2(%arg0: i32) -> (i32, i32) {
    %c0_i32 = arith.constant 0 : i32
    %c0_i32_0 = arith.constant 0 : i32
    %c0_i32_1 = arith.constant 0 : i32
    return %c0_i32, %c0_i32_0 : i32, i32
  }
  func.func @transform_3(%arg0: i32) -> (i32, i32) {
    %c0_i32 = arith.constant 0 : i32
    %c0_i32_0 = arith.constant 0 : i32
    return %arg0, %c0_i32 : i32, i32
  }
}

</mosaic_0001>

<sc_bundles>
// kernel: _emission_log_probs.4.cloned.1.call-start
scs
__scs_entry_jumppad:
0x0: {  	(pc) =	sbr.rel $0x88, $3  }
0x1: {  	(tag) =	ssettag $0x0;
	lr =	simm.s32 $0x1  }
0x2: {  	[smem:$0x3F9E] =	sst lr;
	_ =	strace $0xD0000000  }
0x3: {  	_ = 	snop  }
0x4: {  	_ = 	snop  }
0x5: {  	_ = 	snop  }
0x6: {  	_ = 	snop  }
0x7: {  	_ = 	snop  }
__scs_overlays_trampoline_lowered:
0x8: {  	[smem:$0x3FAD] =	sst s0  }
0x9: {  	[smem:$0x3FAE] =	sst s1  }
0xa: {  	[smem:$0x3FAF] =	sst s2  }
0xb: {  	[smem:$0x3FB0] =	sst s3  }
0xc: {  	[smem:$0x3FB1] =	sst s4  }
0xd: {  	[smem:$0x3FB2] =	sst s5  }
0xe: {  	[smem:$0x3FB3] =	sst s6  }
0xf: {  	[smem:$0x3FB4] =	sst s7  }
0x10: {  	[smem:$0x3FB5] =	sst s8  }
0x11: {  	[smem:$0x3FB6] =	sst s9;
	s0 =	simm.s32 @!p0 $0x0  }
0x12: {  	s1 =	sld [smem:$0x3F9C];
	s0 =	simm.s32 @p0 $0x1  }
0x13: {  	[smem:$0x3FB7] =	sst s0;
	s0 =	simm.s32 @!p1 $0x0  }
0x14: {  	s2 =	sld [smem:$0x3F9B];
	s0 =	simm.s32 @p1 $0x1  }
0x15: {  	[smem:$0x3FB8] =	sst s0;
	s0 =	simm.s32 @!p2 $0x0  }
0x16: {  	s3 =	sld [smem:$0x3FDB];
	s0 =	simm.s32 @p2 $0x1  }
0x17: {  	s4 =	simm.s32 $0x1BF5;
	[smem:$0x3FBA] =	sst s0  }
0x18: {  	s0 =	sld [smem:$0x3F9D];
	_ =	swait.ge [sflag:s4], $0x0  }
0x19: {  	s7 =	sld [smem:$0x3F9E]  }
0x1a: {  	s8 =	sadd.s32 $0xFFFFE003, lr  }
0x1b: {  	s9 =	sadd.s32 $0xFFFFFEF7, lr;
	s5 =	simm.s32 $0xFFFFFFFF;
	p2 =	slt.u32 s8, $0xFFFFF086  }
0x1c: {  	p1 =	slt.u32 s9, $0xF7A;
	s5 =	simm.s32 @!p2 $0x0  }
0x1d: {  	s5 =	simm.s32 @p1 $0x1;
	p0 =	seq.s32 s7, s2  }
0x1e: {  	s7 =	smul.u32 @!p0 $0xF7A, s2;
	p2 =	seq.s32 @!p0 s5, $0x0  }
0x1f: {  	s9 =	smul.u32 $0xF7A, s1;
	s8 =	simm.s32 @!p0 $0x1BF5;
	p2 =	por !p2, p0  }
0x20: {  	[sflag:s8] =	ssyncset.s32 @!p0 $0xFFFFF086;
	s6 =	sadd.s32 @!p0 s3, s7;
	s7 =	simm.s32 @!p0 $0x108  }
0x21: {  	s3 =	sadd.s32 s3, s9;
	s6 =	sadd.s32 @!p0 $0x88, s6;
	s7 =	simm.s32 @p2 $0x1082  }
0x22: {  	[simem:s7], [sflag:s8] =	dma.local @!p0 [hbm:s6], $0xF7A  }
0x23: {  	s9 =	sor.u32 $0xD0000000, s2;
	s6 =	simm.s32 $0x108;
	_ =	swait.ge @!p0 [sflag:s8], $0x0  }
0x24: {  	s3 =	sadd.s32 $0x88, s3;
	s6 =	simm.s32 @!p1 $0x1082;
	[sflag:s4] =	ssyncset.s32 $0xFFFFF086  }
0x25: {  	[simem:s6], [sflag:s4] =	dma.local [hbm:s3], $0xF7A  }
0x26: {  	[smem:$0x3F9E] =	sst s1;
	(tag) =	ssettag s2;
	_ =	strace s9  }
0x27: {  	s1 =	sld [smem:$0x3FAE]  }
0x28: {  	s2 =	sld [smem:$0x3FAF]  }
0x29: {  	s4 =	sld [smem:$0x3FB1]  }
0x2a: {  	p0 =	seq.s32 s5, $0x0;
	s5 =	sld [smem:$0x3FB2]  }
0x2b: {  	s6 =	sld [smem:$0x3FB3]  }
0x2c: {  	s7 =	sld [smem:$0x3FB4]  }
0x2d: {  	s3 =	simm.s32 $0x108;
	s8 =	sld [smem:$0x3FB5]  }
0x2e: {  	s3 =	simm.s32 @!p0 $0x1082;
	s9 =	sld [smem:$0x3FB6]  }
0x2f: {  	lr =	sadd.s32 s0, s3;
	s0 =	sld [smem:$0x3FAD]  }
0x30: {  	s3 =	sld [smem:$0x3FB0]  }
0x31: {  	[smem:$0x3FB9] =	sst s10  }
0x32: {  	s10 =	sld [smem:$0x3FB7];
	_ =	sdelay $0x3  }
0x33: {  	p0 =	seq.s32 s10, $0x1;
	s10 =	sld [smem:$0x3FB9];
	_ =	sdelay $0x3  }
0x34: {  	[smem:$0x3FB9] =	sst s10  }
0x35: {  	s10 =	sld [smem:$0x3FB8];
	_ =	sdelay $0x3  }
0x36: {  	p1 =	seq.s32 s10, $0x1;
	s10 =	sld [smem:$0x3FB9];
	_ =	sdelay $0x3  }
0x37: {  	[smem:$0x3FB9] =	sst s10  }
0x38: {  	s10 =	sld [smem:$0x3FBA]  }
0x39: {  	_ = 	snop;
	(pc) =	sbr.ind lr, $3  }
0x3a: {  	_ = 	snop  }
0x3b: {  	_ = 	snop  }
0x3c: {  	p2 =	seq.s32 s10, $0x1;
	s10 =	sld [smem:$0x3FB9]  }
0x3d: {  	_ =	shalt  }
0x3e: {  	_ =	shalt  }
0x3f: {  	_ =	shalt  }
0x40: {  	_ =	shalt  }
0x41: {  	_ =	shalt  }
0x42: {  	_ =	shalt  }
0x43: {  	_ =	shalt  }
0x44: {  	_ =	shalt  }
0x45: {  	_ =	shalt  }
0x46: {  	_ =	shalt  }
0x47: {  	_ =	shalt  }
0x48: {  	_ =	shalt  }
0x49: {  	_ =	shalt  }
0x4a: {  	_ =	shalt  }
0x4b: {  	_ =	shalt  }
0x4c: {  	_ =	shalt  }
0x4d: {  	_ =	shalt  }
0x4e: {  	_ =	shalt  }
0x4f: {  	_ =	shalt  }
0x50: {  	_ =	shalt  }
0x51: {  	_ =	shalt  }
0x52: {  	_ =	shalt  }
0x53: {  	_ =	shalt  }
0x54: {  	_ =	shalt  }
0x55: {  	_ =	shalt  }
0x56: {  	_ =	shalt  }
0x57: {  	_ =	shalt  }
0x58: {  	_ =	shalt  }
0x59: {  	_ =	shalt  }
0x5a: {  	_ =	shalt  }
0x5b: {  	_ =	shalt  }
0x5c: {  	_ =	shalt  }
0x5d: {  	_ =	shalt  }
0x5e: {  	_ =	shalt  }
0x5f: {  	_ =	shalt  }
0x60: {  	_ =	shalt  }
0x61: {  	_ =	shalt  }
0x62: {  	_ =	shalt  }
0x63: {  	_ =	shalt  }
0x64: {  	_ =	shalt  }
0x65: {  	_ =	shalt  }
0x66: {  	_ =	shalt  }
0x67: {  	_ =	shalt  }
0x68: {  	_ =	shalt  }
0x69: {  	_ =	shalt  }
0x6a: {  	_ =	shalt  }
0x6b: {  	_ =	shalt  }
0x6c: {  	_ =	shalt  }
0x6d: {  	_ =	shalt  }
0x6e: {  	_ =	shalt  }
0x6f: {  	_ =	shalt  }
0x70: {  	_ =	shalt  }
0x71: {  	_ =	shalt  }
0x72: {  	_ =	shalt  }
0x73: {  	_ =	shalt  }
0x74: {  	_ =	shalt  }
0x75: {  	_ =	shalt  }
0x76: {  	_ =	shalt  }
0x77: {  	_ =	shalt  }
0x78: {  	_ =	shalt  }
0x79: {  	_ =	shalt  }
0x7a: {  	_ =	shalt  }
0x7b: {  	_ =	shalt  }
0x7c: {  	_ =	shalt  }
0x7d: {  	_ =	shalt  }
0x7e: {  	_ =	shalt  }
0x7f: {  	_ =	shalt  }
0x80: {  	_ =	shalt  }
0x81: {  	_ =	shalt  }
0x82: {  	_ =	shalt  }
0x83: {  	_ =	shalt  }
0x84: {  	_ =	shalt  }
0x85: {  	_ =	shalt  }
0x86: {  	_ =	shalt  }
0x87: {  	_ =	shalt  }
.Lfunc_end0:
.L_simem_size_0:
called_computation_lowered:
.L_overlay_start_0:
0x88: {  	s0 =	sld [smem:$0x3FD9]  }
0x89: {  	s1 =	sld [smem:$0x3FFE];
	_ =	sdelay $0x3  }
0x8a: {  	s0 =	sadd.s32 s1, s0  }
0x8b: {  	[smem:$0x3FC5] =	sst s0  }
0x8c: {  	_ = 	snop  }
0x8d: {  	s0 =	sld [smem:$0x3FD0];
	(tm) =	ssettm $0x1  }
0x8e: {  	s16 =	sld [smem:$0x3FFB];
	_ =	sdelay $0x3  }
0x8f: {  	_ =	strace s16  }
0x90: {  	s1 =	sld [smem:$0x3FFC];
	_ =	sdelay $0x3  }
0x91: {  	_ =	strace s1  }
0x92: {  	s1 =	sld [smem:$0x3FFD];
	_ =	sdelay $0x3  }
0x93: {  	_ =	strace s1  }
0x94: {  	_ =	strace $0x8FFFFFFF  }
0x95: {  	s17 =	sld [smem:$0x3FDB];
	_ =	sdelay $0x1  }
0x96: {  	s2 =	simm.s32 $_scs_section_size  }
0x97: {  	s3 =	simm.s32 $_size__tile_overlayer_lowered;
	s4 =	simm.s32 $_tile_overlayer_lowered  }
0x98: {  	s20 =	simm.s32 $0x1BFF;
	s19 =	sshll.u32 s4, $0x1;
	s1 =	sadd.s32 s2, s17  }
0x99: {  	s5 =	simm.s32 $0x0;
	s18 =	sshll.u32 s3, $0x1;
	s3 =	sadd.s32 s19, s1  }
0x9a: {  	[timem:s5], [sflag:s20] =	dma.local [hbm:s3], s18  }
0x9b: {  	_ =	swait.ge [sflag:s20], s18  }
0x9c: {  	s2 =	ssub.s32 $0x0, s18;
	[sflag:s20] =	ssyncset.done $0x0  }
0x9d: {  	[sflag:s20] =	ssyncadd.s32 s2;
	_ =	sdelay $0x1  }
0x9e: {  	s21 =	simm.s32 $0x1B8B  }
0x9f: {  	_ =	swait.ge [sflag:s21], $0x1  }
0xa0: {  	[sflag:s21] =	ssyncset.done $0x0  }
0xa1: {  	s23 =	simm.s32 $0x1B8E;
	s22 =	sld [smem:$0x3FFE];
	[sflag:s21] =	ssyncadd.s32 $0xFFFFFFFF  }
0xa2: {  	s24 =	simm.s32 $execute0_lowered;
	[smem:$0x3FD2] =	sst s23  }
0xa3: {  	s3 =	sshll.u32 s24, $0x1;
	_ =	strace $0x80000046;
	[dreg:$0x1] =	wrdreg $0xFFFFFFFF  }
0xa4: {  	s25 =	simm.s32 $_size_execute0_lowered;
	s1 =	sadd.s32 s1, s3;
	[dreg:$0x0] =	wrdreg $0x0  }
0xa5: {  	s3 =	sshll.u32 s25, $0x1;
	[dreg:$0x2] =	wrdreg s1  }
0xa6: {  	[dreg:$0x3] =	wrdreg s3  }
0xa7: {  	[dreg:$0x4] =	wrdreg $0xC0  }
0xa8: {  	_ =	task [dreg:s5], $0x5FFFF  }
0xa9: {  	[dreg:$0x1] =	wrdreg $0xFFFFFFFF  }
0xaa: {  	[dreg:$0x0] =	wrdreg $0x60  }
0xab: {  	[dreg:$0x2] =	wrdreg s0  }
0xac: {  	[dreg:$0x3] =	wrdreg s22  }
0xad: {  	[dreg:$0x4] =	wrdreg $0x9  }
0xae: {  	_ =	task.clear_ibuf [dreg:s5], $0x5FFFF;
	_ =	strace $0x90000046  }
0xaf: {  	s26 =	simm.s32 $0x9;
	_ =	strace $0x80000048  }
0xb0: {  	_ =	swait.ge [sflag:s26], $0x1  }
0xb1: {  	[sflag:s26] =	ssyncadd.s32 $0xFFFFFFFF  }
0xb2: {  	_ =	strace $0x90000048  }
0xb3: {  	_ =	sfence  }
0xb4: {  	s28 =	sld [smem:$0x0];
	_ =	sdelay $0x1  }
0xb5: {  	s29 =	srdreg.scid  }
0xb6: {  	s30 =	sshll.u32 s29, $0xD;
	s31 =	sshrl.u32 s29, $0x2  }
0xb7: {  	s2 =	sand.u32 $0x4000, s30;
	s1 =	sand.u32 $0x1, s29;
	s0 =	sadd.s32 s31, s28  }
0xb8: {  	s1 =	sor.u32 s2, s1;
	s0 =	sshll.u32 s0, $0x11  }
0xb9: {  	s0 =	sor.u32 s0, s1  }
0xba: {  	s0 =	sadd.s32 $0x8F2B, s0  }
0xbb: {  	[sflag:s0] =	ssyncadd.remote.s32 $0x1  }
0xbc: {  	_ =	sfence.sel $0xFFFF  }
0xbd: {  	[dreg:$0x0] =	wrdreg $0xFFFFFFFF;
	(pc) =	sbr.abs _section_cstart, $3  }
0xbe: {  	[dreg:$0x1] =	wrdreg $0xFFFFFFFF  }
0xbf: {  	_ =	task.clear_ibuf [dreg:s5], $0x2FFFF;
	_ =	strace $0x9FFFFFFF  }
0xc0: {  	(tm) =	ssettm $0x7FFFFFFF  }
0xc1: {  	_ =	shalt  }
tec
execute0_lowered:
.L_overlay_start_1:
0x0: {  	(tag) =	ssettag $0x1  }
0x1: {  	s3 =	rddreg [dreg:$0x0]  }
0x2: {  	s2 =	rddreg [dreg:$0x1]  }
0x3: {  	s0 =	rddreg [dreg:$0x2];
	s4 =	simm.s32 $0x0;
	s1 =	stileid.u32  }
0x4: {  	[smem:$0x7FF] =	sst s4;
	s5 =	sshll.u32 s1, $0x9  }
0x5: {  	s26 =	simm.s32 $0x1;
	_ =	strace $0x80000047;
	s3 =	sadd.s32 s3, s5  }
0x6: {  	[tilespmem:s4], [sflag:$0x1] =	stream.linear.gather [hbm4b:s3+s4], $0x1000, $0x38;
	[tilespmem:$0x1C00] =	vst v63  }
0x7: {  	_ =	swait.ge [sflag:s26], $0x1000  }
0x8: {  	[sflag:s26] =	ssyncset.done $0x0  }
0x9: {  	s6 =	simm.s32 $0x1A00;
	s28 =	sadd.s32 $0xC00, s2;
	[sflag:s26] =	ssyncadd.s32 $0xFFFFF000  }
0xa: {  	[tilespmem:s6], [sflag:$0x1] =	stream.linear.gather [hbm4b:s28+s4], $0x200, $0x38;
	[tilespmem:$0x1C00] =	vst v63  }
0xb: {  	_ =	swait.ge [sflag:s26], $0x200  }
0xc: {  	[sflag:s26] =	ssyncset.done $0x0  }
0xd: {  	s30 =	simm.s32 $0x1800;
	s29 =	sadd.s32 $0xE00, s2;
	[sflag:s26] =	ssyncadd.s32 $0xFFFFFE00  }
0xe: {  	[tilespmem:s30], [sflag:$0x1] =	stream.linear.gather [hbm4b:s29+s4], $0x200, $0x38;
	[tilespmem:$0x1C00] =	vst v63  }
0xf: {  	_ =	swait.ge [sflag:s26], $0x200  }
0x10: {  	[sflag:s26] =	ssyncset.done $0x0  }
0x11: {  	[sflag:s26] =	ssyncadd.s32 $0xFFFFFE00  }
0x12: {  	v0 =	vld [tilespmem:$0x1800];
	_ =	sdelay $0x1  }
0x13: {  	v1 =	vld [tilespmem:$0x1810];
	_ =	sdelay $0x2  }
0x14: {  	v2 =	vld [tilespmem:$0x1820];
	[tilespmem:$0x1FD70] =	vst v0;
	v0 =	vsub.f32 $0.0e+00, v0  }
0x15: {  	v3 =	vld [tilespmem:$0x1830]  }
0x16: {  	v4 =	vld [tilespmem:$0x1840];
	[tilespmem:$0x1FD80] =	vst v1;
	v1 =	vsub.f32 $0.0e+00, v1;
	v0 =	vmul.f32 $1.442695020e+00, v0  }
0x17: {  	v5 =	vld [tilespmem:$0x1850]  }
0x18: {  	v7 =	vld [tilespmem:$0x1860];
	(erf) = vpow2.f32 v0;
	v0 =	vmul.f32 $1.442695020e+00, v1  }
0x19: {  	v8 =	vld [tilespmem:$0x1870];
	v1 =	vsub.f32 $0.0e+00, v2  }
0x1a: {  	v9 =	vld [tilespmem:$0x1880];
	[tilespmem:$0x1FD90] =	vst v2;
	(erf) = vpow2.f32 v0  }
0x1b: {  	v10 =	vld [tilespmem:$0x1890];
	[tilespmem:$0x1FDA0] =	vst v3;
	v0 =	vmul.f32 $1.442695020e+00, v1  }
0x1c: {  	v11 =	vld [tilespmem:$0x18D0];
	[tilespmem:$0x1FDB0] =	vst v4;
	v1 =	vsub.f32 $0.0e+00, v3  }
0x1d: {  	[tilespmem:$0x1FDC0] =	vst v5;
	v2 =	vld [tilespmem:$0x1A00];
	v3 =	vsub.f32 $0.0e+00, v4;
	(erf) = vpow2.f32 v0  }
0x1e: {  	[tilespmem:$0x1FDD0] =	vst v7;
	v0 =	vmul.f32 $1.442695020e+00, v1  }
0x1f: {  	[tilespmem:$0x1FDE0] =	vst v8;
	v4 =	vsub.f32 $0.0e+00, v5;
	v1 =	vld [tilespmem:$0x1A10];
	v3 =	vmul.f32 $1.442695020e+00, v3  }
0x20: {  	[tilespmem:$0x1FDF0] =	vst v9;
	(erf) = vpow2.f32 v0  }
0x21: {  	[tilespmem:$0x1FE00] =	vst v10;
	v5 =	vpop (erf);
	(erf) = vpow2.f32 v3;
	v3 =	vmul.f32 $1.442695020e+00, v4;
	v4 =	vsub.f32 $0.0e+00, v7  }
0x22: {  	[tilespmem:$0x1FE40] =	vst v11;
	v0 =	vld [tilespmem:$0x1A20];
	v2 =	vmul.f32 v5, v2  }
0x23: {  	[tilespmem:$0x1800] =	vst v5;
	v7 =	vpop (erf);
	(erf) = vpow2.f32 v3;
	v3 =	vmul.f32 $1.442695020e+00, v4;
	v4 =	vsub.f32 $0.0e+00, v8;
	v8 =	vld [tilespmem:$0x18A0]  }
0x24: {  	v1 =	vmul.f32 v7, v1;
	[tilespmem:$0x1A00] =	vst v2  }
0x25: {  	v6 =	vld [tilespmem:$0x1A30];
	[tilespmem:$0x1810] =	vst v7  }
0x26: {  	v2 =	vpop (erf);
	(erf) = vpow2.f32 v3;
	v3 =	vmul.f32 $1.442695020e+00, v4;
	v4 =	vsub.f32 $0.0e+00, v9;
	v9 =	vld [tilespmem:$0x18B0];
	[tilespmem:$0x1A10] =	vst v1  }
0x27: {  	v0 =	vmul.f32 v2, v0;
	[tilespmem:$0x1820] =	vst v2  }
0x28: {  	v5 =	vld [tilespmem:$0x1A40];
	[tilespmem:$0x1FE10] =	vst v8  }
0x29: {  	v1 =	vpop (erf);
	(erf) = vpow2.f32 v3;
	v3 =	vmul.f32 $1.442695020e+00, v4;
	v4 =	vsub.f32 $0.0e+00, v10;
	v10 =	vld [tilespmem:$0x18C0];
	[tilespmem:$0x1A20] =	vst v0  }
0x2a: {  	v2 =	vmul.f32 v1, v6;
	[tilespmem:$0x1830] =	vst v1  }
0x2b: {  	v7 =	vld [tilespmem:$0x1A50];
	v8 =	vsub.f32 $0.0e+00, v8;
	v0 =	vmul.f32 $1.442695020e+00, v4;
	[tilespmem:$0x1FE20] =	vst v9  }
0x2c: {  	v1 =	vpop (erf);
	[tilespmem:$0x1A30] =	vst v2  }
0x2d: {  	v4 =	vmul.f32 $1.442695020e+00, v8;
	v8 =	vsub.f32 $0.0e+00, v9;
	v2 =	vmul.f32 v1, v5;
	v9 =	vld [tilespmem:$0x18E0];
	[tilespmem:$0x1840] =	vst v1  }
0x2e: {  	v6 =	vld [tilespmem:$0x1A60];
	(erf) = vpow2.f32 v3;
	[tilespmem:$0x1FE30] =	vst v10  }
0x2f: {  	(erf) = vpow2.f32 v0;
	[tilespmem:$0x1A40] =	vst v2;
	v0 =	vpop (erf)  }
0x30: {  	v5 =	vsub.f32 $0.0e+00, v10;
	v10 =	vld [tilespmem:$0x1910];
	v2 =	vmul.f32 v0, v7;
	[tilespmem:$0x1850] =	vst v0;
	v0 =	vpop (erf)  }
0x31: {  	v3 =	vld [tilespmem:$0x1A70];
	[tilespmem:$0x1860] =	vst v0  }
0x32: {  	(erf) = vpow2.f32 v4;
	v4 =	vmul.f32 $1.442695020e+00, v8;
	v8 =	vld [tilespmem:$0x18F0];
	[tilespmem:$0x1FE50] =	vst v9  }
0x33: {  	[tilespmem:$0x1A50] =	vst v2;
	v2 =	vmul.f32 v0, v6;
	v0 =	vpop (erf)  }
0x34: {  	v1 =	vld [tilespmem:$0x1A80];
	(erf) = vpow2.f32 v4;
	v4 =	vmul.f32 $1.442695020e+00, v5;
	v5 =	vsub.f32 $0.0e+00, v11;
	[tilespmem:$0x1870] =	vst v0  }
0x35: {  	v11 =	vld [tilespmem:$0x1920];
	[tilespmem:$0x1FE80] =	vst v10  }
0x36: {  	(erf) = vpow2.f32 v4;
	v4 =	vmul.f32 $1.442695020e+00, v5;
	[tilespmem:$0x1A60] =	vst v2  }
0x37: {  	v7 =	vld [tilespmem:$0x1A90];
	v5 =	vsub.f32 $0.0e+00, v9;
	v2 =	vmul.f32 v0, v3;
	v0 =	vpop (erf);
	[tilespmem:$0x1FE60] =	vst v8  }
0x38: {  	v9 =	vld [tilespmem:$0x1900];
	(erf) = vpow2.f32 v4;
	[tilespmem:$0x1880] =	vst v0  }
0x39: {  	v6 =	vld [tilespmem:$0x1AA0];
	v4 =	vmul.f32 $1.442695020e+00, v5;
	v1 =	vmul.f32 v0, v1;
	[tilespmem:$0x1A70] =	vst v2  }
0x3a: {  	[tilespmem:$0x1FE90] =	vst v11  }
0x3b: {  	v0 =	vpop (erf);
	[tilespmem:$0x1A80] =	vst v1  }
0x3c: {  	v3 =	vld [tilespmem:$0x1AB0];
	v5 =	vsub.f32 $0.0e+00, v8;
	v1 =	vmul.f32 v0, v7;
	[tilespmem:$0x1890] =	vst v0  }
0x3d: {  	(erf) = vpow2.f32 v4;
	[tilespmem:$0x1FE70] =	vst v9;
	v8 =	vsub.f32 $0.0e+00, v9;
	v9 =	vld [tilespmem:$0x1930];
	v4 =	vpop (erf)  }
0x3e: {  	v5 =	vmul.f32 $1.442695020e+00, v5;
	[tilespmem:$0x1A90] =	vst v1;
	v0 =	vmul.f32 v4, v6  }
0x3f: {  	v2 =	vld [tilespmem:$0x1AC0];
	[tilespmem:$0x18A0] =	vst v4  }
0x40: {  	(erf) = vpow2.f32 v5;
	v5 =	vmul.f32 $1.442695020e+00, v8;
	v8 =	vsub.f32 $0.0e+00, v10;
	v10 =	vld [tilespmem:$0x1940];
	v1 =	vpop (erf);
	[tilespmem:$0x1AA0] =	vst v0  }
0x41: {  	v3 =	vmul.f32 v1, v3;
	[tilespmem:$0x18B0] =	vst v1  }
0x42: {  	v7 =	vld [tilespmem:$0x1AD0];
	[tilespmem:$0x1FEA0] =	vst v9  }
0x43: {  	v4 =	vmul.f32 $1.442695020e+00, v8;
	v8 =	vld [tilespmem:$0x1950];
	v0 =	vpop (erf);
	[tilespmem:$0x1AB0] =	vst v3  }
0x44: {  	(erf) = vpow2.f32 v5;
	[tilespmem:$0x18C0] =	vst v0  }
0x45: {  	(erf) = vpow2.f32 v4;
	v4 =	vsub.f32 $0.0e+00, v9;
	v9 =	vld [tilespmem:$0x1960];
	v1 =	vmul.f32 v0, v2;
	v2 =	vpop (erf);
	[tilespmem:$0x1FEB0] =	vst v10  }
0x46: {  	v6 =	vld [tilespmem:$0x1AE0];
	v5 =	vsub.f32 $0.0e+00, v11;
	[tilespmem:$0x18D0] =	vst v2  }
0x47: {  	v0 =	vmul.f32 v2, v7;
	[tilespmem:$0x1AC0] =	vst v1  }
0x48: {  	v3 =	vmul.f32 $1.442695020e+00, v5;
	v5 =	vld [tilespmem:$0x1AF0];
	[tilespmem:$0x1FEC0] =	vst v8  }
0x49: {  	v7 =	vsub.f32 $0.0e+00, v8;
	v8 =	vld [tilespmem:$0x1980];
	[tilespmem:$0x1AD0] =	vst v0  }
0x4a: {  	v1 =	vpop (erf);
	(erf) = vpow2.f32 v3;
	v3 =	vmul.f32 $1.442695020e+00, v4;
	v4 =	vsub.f32 $0.0e+00, v10;
	v10 =	vld [tilespmem:$0x1970];
	[tilespmem:$0x1FED0] =	vst v9  }
0x4b: {  	v2 =	vmul.f32 v1, v6;
	[tilespmem:$0x18E0] =	vst v1;
	v1 =	vpop (erf)  }
0x4c: {  	v6 =	vld [tilespmem:$0x1B00];
	v0 =	vmul.f32 $1.442695020e+00, v4;
	[tilespmem:$0x18F0] =	vst v1  }
0x4d: {  	v4 =	vmul.f32 $1.442695020e+00, v7;
	v7 =	vsub.f32 $0.0e+00, v9;
	v9 =	vld [tilespmem:$0x1990];
	[tilespmem:$0x1AE0] =	vst v2  }
0x4e: {  	(erf) = vpow2.f32 v3;
	v2 =	vmul.f32 v1, v5;
	[tilespmem:$0x1FEF0] =	vst v8  }
0x4f: {  	v3 =	vld [tilespmem:$0x1B10];
	[tilespmem:$0x1FEE0] =	vst v10  }
0x50: {  	(erf) = vpow2.f32 v0;
	[tilespmem:$0x1AF0] =	vst v2;
	v0 =	vpop (erf)  }
0x51: {  	v1 =	vld [tilespmem:$0x1B20];
	(erf) = vpow2.f32 v4;
	[tilespmem:$0x1900] =	vst v0  }
0x52: {  	v4 =	vmul.f32 $1.442695020e+00, v7;
	v7 =	vld [tilespmem:$0x19A0];
	v2 =	vmul.f32 v0, v6;
	v0 =	vpop (erf);
	[tilespmem:$0x1FF00] =	vst v9  }
0x53: {  	v5 =	vsub.f32 $0.0e+00, v10;
	v6 =	vld [tilespmem:$0x1B30];
	[tilespmem:$0x1910] =	vst v0  }
0x54: {  	[tilespmem:$0x1B00] =	vst v2;
	v2 =	vmul.f32 v0, v3;
	v0 =	vpop (erf)  }
0x55: {  	(erf) = vpow2.f32 v4;
	v4 =	vmul.f32 $1.442695020e+00, v5;
	v5 =	vsub.f32 $0.0e+00, v8;
	v3 =	vld [tilespmem:$0x1B40];
	[tilespmem:$0x1920] =	vst v0  }
0x56: {  	v8 =	vld [tilespmem:$0x19B0];
	v1 =	vmul.f32 v0, v1;
	[tilespmem:$0x1B10] =	vst v2  }
0x57: {  	(erf) = vpow2.f32 v4;
	v4 =	vmul.f32 $1.442695020e+00, v5;
	v5 =	vsub.f32 $0.0e+00, v9;
	v2 =	vld [tilespmem:$0x1B50];
	v0 =	vpop (erf);
	[tilespmem:$0x1FF10] =	vst v7  }
0x58: {  	v9 =	vld [tilespmem:$0x19C0];
	[tilespmem:$0x1B20] =	vst v1;
	v1 =	vmul.f32 v0, v6  }
0x59: {  	(erf) = vpow2.f32 v4;
	v4 =	vmul.f32 $1.442695020e+00, v5;
	[tilespmem:$0x1930] =	vst v0;
	v0 =	vpop (erf)  }
0x5a: {  	v5 =	vld [tilespmem:$0x1B60];
	v6 =	vsub.f32 $0.0e+00, v7;
	[tilespmem:$0x1B30] =	vst v1;
	v1 =	vmul.f32 v0, v3  }
0x5b: {  	v10 =	vld [tilespmem:$0x19D0];
	[tilespmem:$0x1FF20] =	vst v8;
	(erf) = vpow2.f32 v4;
	v3 =	vpop (erf)  }
0x5c: {  	v7 =	vsub.f32 $0.0e+00, v8;
	v4 =	vld [tilespmem:$0x1B70];
	v6 =	vmul.f32 $1.442695020e+00, v6;
	[tilespmem:$0x1940] =	vst v0;
	v0 =	vmul.f32 v3, v2  }
0x5d: {  	[tilespmem:$0x1FF30] =	vst v9  }
0x5e: {  	v8 =	vld [tilespmem:$0x19E0];
	[tilespmem:$0x1B40] =	vst v1;
	(erf) = vpow2.f32 v6;
	v6 =	vmul.f32 $1.442695020e+00, v7;
	v1 =	vpop (erf)  }
0x5f: {  	v2 =	vld [tilespmem:$0x1B80];
	v7 =	vsub.f32 $0.0e+00, v9;
	[tilespmem:$0x1950] =	vst v3;
	v3 =	vmul.f32 v1, v5  }
0x60: {  	v9 =	vld [tilespmem:$0x19F0];
	[tilespmem:$0x1B50] =	vst v0;
	v0 =	vpop (erf);
	(erf) = vpow2.f32 v6  }
0x61: {  	[tilespmem:$0x1960] =	vst v1;
	v6 =	vmul.f32 $1.442695020e+00, v7;
	v7 =	vsub.f32 $0.0e+00, v10;
	v1 =	vmul.f32 v0, v4  }
0x62: {  	[tilespmem:$0x1FF40] =	vst v10;
	v5 =	vld [tilespmem:$0x1B90]  }
0x63: {  	[tilespmem:$0x1B60] =	vst v3;
	(erf) = vpow2.f32 v6;
	v4 =	vmul.f32 $1.442695020e+00, v7;
	v6 =	vsub.f32 $0.0e+00, v8;
	v3 =	vpop (erf)  }
0x64: {  	[tilespmem:$0x1970] =	vst v0;
	v0 =	vmul.f32 v3, v2  }
0x65: {  	[tilespmem:$0x1B70] =	vst v1;
	v2 =	vld [tilespmem:$0x1BA0];
	v1 =	vpop (erf);
	(erf) = vpow2.f32 v4;
	v4 =	vmul.f32 $1.442695020e+00, v6;
	v6 =	vsub.f32 $0.0e+00, v9  }
0x66: {  	[tilespmem:$0x1980] =	vst v3  }
0x67: {  	v3 =	vmul.f32 v1, v5;
	v5 =	vld [tilespmem:$0x1BB0];
	[tilespmem:$0x1B80] =	vst v0;
	v0 =	vmul.f32 $1.442695020e+00, v6  }
0x68: {  	[tilespmem:$0x1FF50] =	vst v8  }
0x69: {  	[tilespmem:$0x1990] =	vst v1;
	v1 =	vpop (erf);
	(erf) = vpow2.f32 v4;
	v4 =	vld [tilespmem:$0x1BC0]  }
0x6a: {  	[tilespmem:$0x19A0] =	vst v1;
	v2 =	vmul.f32 v1, v2  }
0x6b: {  	[tilespmem:$0x1B90] =	vst v3;
	(erf) = vpow2.f32 v0;
	v1 =	vld [tilespmem:$0x1BD0];
	v0 =	vpop (erf)  }
0x6c: {  	[tilespmem:$0x1BA0] =	vst v2;
	v2 =	vmul.f32 v0, v5  }
0x6d: {  	v3 =	vpop (erf);
	[tilespmem:$0x19B0] =	vst v0  }
0x6e: {  	v0 =	vld [tilespmem:$0x1BE0];
	[tilespmem:$0x1BB0] =	vst v2;
	v2 =	vmul.f32 v3, v4  }
0x6f: {  	[tilespmem:$0x1FF60] =	vst v9;
	v4 =	vpop (erf)  }
0x70: {  	[tilespmem:$0x19C0] =	vst v3;
	v3 =	vld [tilespmem:$0x1BF0];
	v1 =	vmul.f32 v4, v1  }
0x71: {  	[tilespmem:$0x19D0] =	vst v4  }
0x72: {  	[tilespmem:$0x1BC0] =	vst v2;
	v2 =	vpop (erf)  }
0x73: {  	[tilespmem:$0x1BD0] =	vst v1;
	v0 =	vmul.f32 v2, v0  }
0x74: {  	[tilespmem:$0x19E0] =	vst v2;
	v1 =	vpop (erf)  }
0x75: {  	[tilespmem:$0x1BE0] =	vst v0;
	v0 =	vmul.f32 v1, v3  }
0x76: {  	[tilespmem:$0x19F0] =	vst v1  }
0x77: {  	s31 =	simm.s32 $0x20;
	v12 =	vld [tilespmem:$0x1810];
	[tilespmem:$0x1BF0] =	vst v0  }
0x78: {  	v19 =	vld [tilespmem:s31+$0xFFFFFFE0]  }
0x79: {  	v23 =	vld [tilespmem:s31+$0x0]  }
0x7a: {  	v20 =	vld [tilespmem:$0x1A10]  }
0x7b: {  	v16 =	vimm.s32 $0x4;
	v13 =	vld [tilespmem:$0x1820]  }
0x7c: {  	v14 =	vld [tilespmem:$0x1830];
	v8 =	vimm.s32 $0x1;
	v9 =	vimm.s32 $0x0;
	v6 =	vimm.s32 $0x2  }
0x7d: {  	v22 =	vld [tilespmem:$0x1A20];
	v7 =	vimm.s32 $0x3;
	v0 =	vperm.xlane v19, v9;
	v1 =	vperm.xlane v19, v6  }
0x7e: {  	v17 =	vimm.s32 $0x5;
	v10 =	vld [tilespmem:$0x1800];
	v2 =	vperm.xlane v23, v8;
	v3 =	vperm.xlane v23, v7  }
0x7f: {  	v15 =	vld [tilespmem:$0x1850];
	v4 =	vperm.xlane v19, v16;
	v5 =	vperm.xlane v19, v17  }
0x80: {  	v32 =	vimm.s32 $0xD;
	v47 =	vld [tilespmem:$0x1A30];
	v6 =	vperm.xlane v23, v6;
	v7 =	vperm.xlane v19, v7  }
0x81: {  	v33 =	vimm.s32 $0xE;
	v11 =	vld [tilespmem:$0x1A00];
	v8 =	vperm.xlane v19, v8;
	v9 =	vperm.xlane v23, v9  }
0x82: {  	v21 =	vld [tilespmem:$0x1A50];
	v39 =	vperm.xlane v23, v33;
	v45 =	vperm.xlane v19, v32  }
0x83: {  	v54 =	vld [tilespmem:$0x18E0];
	v0 =	vmul.f32 v0, v10;
	v2 =	vmul.f32 v2, v12  }
0x84: {  	v5 =	vmul.f32 v5, v15;
	v1 =	vmul.f32 v1, v13  }
0x85: {  	v18 =	vimm.s32 $0x8;
	v7 =	vmul.f32 v7, v14;
	v8 =	vmul.f32 v8, v12  }
0x86: {  	v6 =	vmul.f32 v6, v13;
	v9 =	vmul.f32 v9, v10;
	v0 =	vsub.f32 v0, v11  }
0x87: {  	v49 =	vld [tilespmem:$0x1840];
	v3 =	vmul.f32 v3, v14;
	v2 =	vsub.f32 v2, v20;
	v5 =	vsub.f32 v5, v21  }
0x88: {  	v39 =	vmul.f32 v39, v54;
	v1 =	vsub.f32 v1, v22;
	v7 =	vsub.f32 v7, v47  }
0x89: {  	v8 =	vsub.f32 v8, v20;
	v6 =	vsub.f32 v6, v22;
	v0 =	vmul.f32 v0, v0  }
0x8a: {  	v51 =	vld [tilespmem:$0x1A40];
	v9 =	vsub.f32 v9, v11;
	v2 =	vmul.f32 v2, v2;
	v1 =	vmul.f32 v1, v1  }
0x8b: {  	v3 =	vsub.f32 v3, v47;
	v7 =	vmul.f32 v7, v7;
	v8 =	vmul.f32 v8, v8  }
0x8c: {  	v52 =	vld [tilespmem:$0x18D0];
	v0 =	vadd.f32 v1, v0;
	v1 =	vmul.f32 v4, v49;
	v4 =	vmul.f32 v5, v5  }
0x8d: {  	v28 =	vimm.s32 $0xB;
	v50 =	vld [tilespmem:$0x1880];
	v5 =	vmul.f32 v6, v6;
	v6 =	vmul.f32 v9, v9  }
0x8e: {  	v3 =	vmul.f32 v3, v3;
	v7 =	vadd.f32 v7, v8;
	v8 =	vperm.xlane v23, v17  }
0x8f: {  	v55 =	vld [tilespmem:$0x1A80];
	v9 =	vadd.f32 v5, v6;
	v5 =	vperm.xlane v19, v18;
	v1 =	vsub.f32 v1, v51  }
0x90: {  	v2 =	vadd.f32 v3, v2;
	v6 =	vperm.xlane v23, v32;
	v3 =	vmul.f32 v8, v15  }
0x91: {  	v56 =	vld [tilespmem:$0x18B0];
	v53 =	vmul.f32 v45, v52;
	v25 =	vadd.f32 v4, v7;
	v1 =	vmul.f32 v1, v1  }
0x92: {  	v4 =	vmul.f32 v5, v50;
	v8 =	vmul.f32 v6, v52;
	v3 =	vsub.f32 v3, v21  }
0x93: {  	v5 =	vperm.xlane v19, v33;
	v6 =	vperm.xlane v23, v16;
	v30 =	vadd.f32 v1, v0  }
0x94: {  	v0 =	vmul.f32 v3, v3;
	v1 =	vperm.xlane v19, v28;
	v3 =	vsub.f32 v4, v55  }
0x95: {  	v58 =	vld [tilespmem:$0x1860];
	[tilespmem:$0x1FFC0] =	vst v22;
	v22 =	vmul.f32 v5, v54;
	v4 =	vmul.f32 v6, v49;
	v6 =	vimm.s32 $0x6  }
0x96: {  	v60 =	vld [tilespmem:$0x1870];
	[tilespmem:$0x1FFB0] =	vst v14;
	v28 =	vperm.xlane v23, v28;
	v14 =	vadd.f32 v0, v2;
	v16 =	vmul.f32 v1, v56  }
0x97: {  	v61 =	vld [tilespmem:$0x18A0];
	[tilespmem:$0x1FF70] =	vst v12;
	v1 =	vperm.xlane v23, v18;
	v12 =	vmul.f32 v3, v3;
	v3 =	vsub.f32 v4, v51  }
0x98: {  	v62 =	vld [tilespmem:$0x1890];
	v0 =	vimm.s32 $0xA;
	v2 =	vimm.s32 $0x9;
	v18 =	vperm.xlane v19, v6  }
0x99: {  	v63 =	vld [tilespmem:$0x1AA0];
	[tilespmem:$0x1FFD0] =	vst v11;
	v4 =	vimm.s32 $0x7;
	v5 =	vperm.xlane v23, v0;
	v11 =	vperm.xlane v23, v2  }
0x9a: {  	[tilespmem:$0x1FFE0] =	vst v15;
	v15 =	vperm.xlane v23, v4;
	v7 =	vmul.f32 v1, v50;
	v1 =	vld [tilespmem:$0x1A90]  }
0x9b: {  	[tilespmem:$0x1FFA0] =	vst v10;
	v26 =	vperm.xlane v19, v4;
	v10 =	vmul.f32 v3, v3;
	v3 =	vld [tilespmem:$0x1A70]  }
0x9c: {  	[tilespmem:$0x1FF80] =	vst v13;
	v18 =	vmul.f32 v18, v58;
	v13 =	vmul.f32 v5, v61;
	v5 =	vld [tilespmem:$0x1A60]  }
0x9d: {  	v9 =	vadd.f32 v10, v9;
	v10 =	vmul.f32 v11, v62;
	v11 =	vperm.xlane v23, v6  }
0x9e: {  	v15 =	vmul.f32 v15, v60;
	v7 =	vsub.f32 v7, v55;
	v13 =	vsub.f32 v13, v63  }
0x9f: {  	[tilespmem:$0x1FF90] =	vst v20;
	v26 =	vmul.f32 v26, v60;
	v11 =	vmul.f32 v11, v58;
	v10 =	vsub.f32 v10, v1  }
0xa0: {  	[tilespmem:$0x1FFF0] =	vst v21;
	v21 =	vmul.f32 v7, v7;
	v7 =	vld [tilespmem:$0x18C0];
	v20 =	vmul.f32 v13, v13;
	v13 =	vsub.f32 v15, v3  }
0xa1: {  	v6 =	vimm.s32 $0xC;
	v15 =	vsub.f32 v11, v5;
	v17 =	vmul.f32 v10, v10;
	v10 =	vld [tilespmem:$0x1AD0]  }
0xa2: {  	v27 =	vperm.xlane v23, v6;
	v18 =	vsub.f32 v18, v5;
	v24 =	vmul.f32 v13, v13;
	v13 =	vld [tilespmem:$0x1AC0]  }
0xa3: {  	v46 =	vimm.s32 $0xC;
	v43 =	vperm.xlane v19, v6;
	v15 =	vmul.f32 v15, v15  }
0xa4: {  	v31 =	vmul.f32 v18, v18;
	v18 =	vsub.f32 v26, v3;
	v24 =	vadd.f32 v24, v14;
	v14 =	vld [tilespmem:$0x1AB0]  }
0xa5: {  	v26 =	vmul.f32 v28, v56;
	v40 =	vadd.f32 v15, v9;
	v9 =	vmul.f32 v27, v7  }
0xa6: {  	v42 =	vimm.s32 $0xE;
	v28 =	vperm.xlane v19, v2;
	v48 =	vmul.f32 v43, v7;
	v15 =	vld [tilespmem:$0x1AE0]  }
0xa7: {  	v27 =	vperm.xlane v19, v0;
	v29 =	vsub.f32 v8, v10;
	v9 =	vsub.f32 v9, v13;
	v8 =	vld [tilespmem:$0x18F0]  }
0xa8: {  	v34 =	vmul.f32 v18, v18;
	v41 =	vmul.f32 v28, v62;
	v0 =	vimm.s32 $0xF  }
0xa9: {  	v23 =	vperm.xlane v23, v0;
	v28 =	vsub.f32 v26, v14;
	v26 =	vmul.f32 v9, v9;
	v9 =	vld [tilespmem:$0x1AF0]  }
0xaa: {  	v27 =	vmul.f32 v27, v61;
	v41 =	vsub.f32 v41, v1;
	v45 =	vsub.f32 v48, v13  }
0xab: {  	v48 =	vsub.f32 v53, v10;
	v53 =	vperm.xlane v19, v0;
	v18 =	vsub.f32 v16, v14  }
0xac: {  	v27 =	vsub.f32 v27, v63;
	v59 =	vsub.f32 v39, v15;
	v23 =	vmul.f32 v23, v8  }
0xad: {  	s2 =	sadd.s32 $0x1000, s2;
	s5 =	simm.s32 $0x0;
	v29 =	vmul.f32 v29, v29;
	v22 =	vsub.f32 v22, v15;
	v28 =	vmul.f32 v28, v28  }
0xae: {  	s3 =	simm.s32 $0x1010;
	s6 =	simm.s32 $0x60;
	s4 =	simm.s32 $0x1010;
	v39 =	vmul.f32 v27, v27;
	v27 =	vmul.f32 v59, v59;
	v43 =	vsub.f32 v23, v9  }
.LBB2_1:
0xaf: {  	v22 =	vmul.f32 v22, v22;
	v33 =	vimm.s32 $0x0;
	v0 =	vimm.s32 $0x2  }
0xb0: {  	v2 =	vimm.s32 $0x8;
	v44 =	vimm.s32 $0x6;
	v4 =	vimm.s32 $0xD  }
0xb1: {  	v19 =	vld [tilespmem:s6+$0xFFFFFFE0];
	v16 =	vimm.s32 $0xB;
	v36 =	vimm.s32 $0xA;
	v11 =	vimm.s32 $0x5  }
0xb2: {  	v6 =	vimm.s32 $0x4;
	v30 =	vadd.f32 v31, v30;
	v31 =	vmul.f32 v41, v41  }
0xb3: {  	v23 =	vld [tilespmem:s6+$0x0];
	v25 =	vadd.f32 v34, v25;
	v34 =	vmul.f32 v48, v48;
	v41 =	vmul.f32 v43, v43  }
0xb4: {  	v48 =	vmul.f32 v45, v45;
	v21 =	vadd.f32 v21, v40;
	v17 =	vadd.f32 v17, v24  }
0xb5: {  	v18 =	vmul.f32 v18, v18;
	v12 =	vadd.f32 v12, v30;
	v30 =	vadd.f32 v31, v25  }
0xb6: {  	v31 =	vmul.f32 v53, v8;
	v20 =	vadd.f32 v20, v21;
	v21 =	vperm.xlane v19, v33  }
0xb7: {  	v25 =	vperm.xlane v19, v46;
	v12 =	vadd.f32 v39, v12;
	v39 =	vperm.xlane v19, v0  }
0xb8: {  	v40 =	vperm.xlane v19, v42;
	v18 =	vadd.f32 v18, v30;
	v30 =	vperm.xlane v23, v2  }
0xb9: {  	v32 =	vld [tilespmem:$0x1FFA0];
	v17 =	vadd.f32 v28, v17;
	v43 =	vperm.xlane v19, v44;
	v24 =	vperm.xlane v19, v4  }
0xba: {  	v31 =	vsub.f32 v31, v9;
	v57 =	vperm.xlane v19, v2;
	v59 =	vperm.xlane v23, v4  }
0xbb: {  	v20 =	vadd.f32 v26, v20;
	v45 =	vperm.xlane v19, v36;
	v4 =	vimm.s32 $0x1  }
0xbc: {  	v38 =	vperm.xlane v23, v11;
	v17 =	vadd.f32 v29, v17;
	v44 =	vperm.xlane v23, v44  }
0xbd: {  	v2 =	vimm.s32 $0x3;
	v53 =	vperm.xlane v23, v4;
	v4 =	vperm.xlane v19, v4  }
0xbe: {  	v35 =	vld [tilespmem:$0x1FFD0];
	v21 =	vmul.f32 v21, v32;
	v12 =	vadd.f32 v48, v12;
	v31 =	vmul.f32 v31, v31  }
0xbf: {  	v26 =	vmul.f32 v57, v50;
	v18 =	vadd.f32 v34, v18;
	v40 =	vmul.f32 v40, v54  }
0xc0: {  	v48 =	vperm.xlane v23, v2;
	v57 =	vperm.xlane v23, v6;
	v17 =	vadd.f32 v41, v17  }
0xc1: {  	v41 =	vperm.xlane v19, v6;
	v20 =	vadd.f32 v27, v20;
	v27 =	vmul.f32 v30, v50  }
0xc2: {  	v34 =	vperm.xlane v23, v36;
	v22 =	vadd.f32 v22, v12;
	v12 =	vmul.f32 v59, v52  }
0xc3: {  	v36 =	vld [tilespmem:$0x1FF70];
	v21 =	vsub.f32 v21, v35;
	v59 =	vperm.xlane v23, v0;
	v0 =	vperm.xlane v19, v2  }
0xc4: {  	v2 =	vimm.s32 $0x9;
	v17 =	vadd.f32 v17, v20;
	v20 =	vperm.xlane v19, v11  }
0xc5: {  	v6 =	vld [tilespmem:$0x1FFE0];
	v26 =	vsub.f32 v26, v55;
	v34 =	vmul.f32 v34, v61;
	v30 =	vperm.xlane v23, v2  }
0xc6: {  	v31 =	vadd.f32 v31, v18;
	v28 =	vmul.f32 v21, v21;
	v21 =	vperm.xlane v19, v16  }
0xc7: {  	v37 =	vld [tilespmem:$0x1FFF0];
	v29 =	vsub.f32 v12, v10;
	v12 =	vmul.f32 v26, v26;
	v26 =	vperm.xlane v19, v2  }
0xc8: {  	v2 =	vperm.xlane v23, v16;
	[tilespmem:s3+$0x0] =	vst v17;
	v17 =	vmul.f32 v53, v36  }
0xc9: {  	v22 =	vadd.f32 v31, v22;
	v30 =	vmul.f32 v30, v62;
	v4 =	vmul.f32 v4, v36  }
0xca: {  	v18 =	vmul.f32 v21, v56;
	v21 =	vmul.f32 v38, v6  }
0xcb: {  	v38 =	vimm.s32 $0x7;
	[tilespmem:s3+$0xFFFFFFF0] =	vst v22;
	v22 =	vsub.f32 v40, v15;
	v40 =	vmul.f32 v44, v58  }
0xcc: {  	v44 =	vld [tilespmem:$0x1FF90];
	v2 =	vmul.f32 v2, v56;
	v16 =	vperm.xlane v23, v38;
	v21 =	vsub.f32 v21, v37  }
0xcd: {  	v27 =	vsub.f32 v27, v55;
	v29 =	vmul.f32 v29, v29;
	v31 =	vperm.xlane v19, v38  }
0xce: {  	v34 =	vsub.f32 v34, v63;
	v38 =	vld [tilespmem:$0x1FFB0];
	v16 =	vmul.f32 v16, v60;
	v53 =	vmul.f32 v21, v21  }
0xcf: {  	v30 =	vsub.f32 v30, v1;
	v21 =	vmul.f32 v27, v27;
	v27 =	vmul.f32 v20, v6  }
0xd0: {  	v18 =	vsub.f32 v18, v14;
	v6 =	vperm.xlane v23, v46;
	v20 =	vmul.f32 v34, v34  }
0xd1: {  	v34 =	vmul.f32 v41, v49;
	v41 =	vperm.xlane v23, v33;
	v11 =	vsub.f32 v17, v44  }
0xd2: {  	v17 =	vmul.f32 v30, v30;
	v4 =	vsub.f32 v4, v44;
	v44 =	vmul.f32 v26, v62  }
0xd3: {  	v0 =	vmul.f32 v0, v38;
	v27 =	vsub.f32 v27, v37;
	v37 =	vld [tilespmem:$0x1FF80];
	v48 =	vmul.f32 v48, v38  }
0xd4: {  	v16 =	vsub.f32 v16, v3;
	v41 =	vmul.f32 v41, v32;
	v6 =	vmul.f32 v6, v7  }
0xd5: {  	v38 =	vperm.xlane v23, v42;
	v11 =	vmul.f32 v11, v11;
	v0 =	vsub.f32 v0, v47  }
0xd6: {  	v16 =	vmul.f32 v16, v16;
	v4 =	vmul.f32 v4, v4;
	v6 =	vsub.f32 v6, v13  }
0xd7: {  	v36 =	vld [tilespmem:$0x1FFC0];
	v40 =	vsub.f32 v40, v5;
	v27 =	vmul.f32 v27, v27;
	v0 =	vmul.f32 v0, v0  }
0xd8: {  	v2 =	vsub.f32 v2, v14;
	v26 =	vmul.f32 v6, v6;
	v30 =	vmul.f32 v39, v37  }
0xd9: {  	v48 =	vsub.f32 v48, v47;
	v39 =	vmul.f32 v43, v58;
	v43 =	vmul.f32 v57, v49  }
0xda: {  	v37 =	vmul.f32 v59, v37;
	v59 =	vsub.f32 v34, v51;
	v0 =	vadd.f32 v0, v4  }
0xdb: {  	v4 =	vmul.f32 v48, v48;
	v34 =	vsub.f32 v43, v51;
	v43 =	vmul.f32 v31, v60  }
0xdc: {  	v31 =	vsub.f32 v37, v36;
	v48 =	vmul.f32 v59, v59;
	v59 =	vimm.s32 $0xF  }
0xdd: {  	v30 =	vsub.f32 v30, v36;
	v39 =	vsub.f32 v39, v5;
	v23 =	vperm.xlane v23, v59  }
0xde: {  	v4 =	vadd.f32 v4, v11;
	v57 =	vmul.f32 v34, v34;
	v32 =	vmul.f32 v31, v31  }
0xdf: {  	v31 =	vmul.f32 v39, v39;
	v34 =	vsub.f32 v43, v3;
	v30 =	vmul.f32 v30, v30  }
0xe0: {  	v39 =	vsub.f32 v41, v35;
	v43 =	vmul.f32 v45, v61;
	v45 =	vmul.f32 v38, v54  }
0xe1: {  	v41 =	vsub.f32 v44, v1;
	v11 =	vmul.f32 v23, v8;
	v4 =	vadd.f32 v53, v4  }
0xe2: {  	s5 =	sadd.s32 $0x2, s5;
	v30 =	vadd.f32 v30, v28;
	v39 =	vmul.f32 v39, v39;
	v6 =	vsub.f32 v43, v63  }
0xe3: {  	p0 =	slt.u32 s5, $0x7E;
	v28 =	vmul.f32 v2, v2;
	v2 =	vmul.f32 v25, v7;
	v25 =	vadd.f32 v27, v0  }
.Ltmp0:
0xe4: {  	v32 =	vadd.f32 v32, v39;
	v39 =	vmul.f32 v6, v6;
	v6 =	vsub.f32 v45, v15;
	(pc) =	sbr.rel @p0 .LBB2_1-.Ltmp0, $4  }
0xe5: {  	v0 =	vmul.f32 v40, v40;
	v43 =	vsub.f32 v11, v9;
	v30 =	vadd.f32 v48, v30  }
0xe6: {  	v27 =	vmul.f32 v6, v6;
	v6 =	vmul.f32 v24, v52;
	v23 =	vadd.f32 v57, v32  }
0xe7: {  	s4 =	sadd.s32 $0x20, s4;
	v53 =	vperm.xlane v19, v59;
	v45 =	vsub.f32 v2, v13;
	v24 =	vadd.f32 v16, v4  }
0xe8: {  	s6 =	sadd.s32 $0x40, s6;
	s3 =	smov.u32 s4;
	v34 =	vmul.f32 v34, v34;
	v48 =	vsub.f32 v6, v10;
	v40 =	vadd.f32 v0, v23  }
0xe9: {  	v0 =	vld [tilespmem:$0x1FD70];
	_ =	sdelay $0x1  }
0xea: {  	v1 =	vld [tilespmem:$0x1FD80];
	_ =	sdelay $0x1  }
0xeb: {  	v19 =	vld [tilespmem:$0x1FD90]  }
0xec: {  	v0 =	vsub.f32 $-2.940603260e+01, v0  }
0xed: {  	v23 =	vld [tilespmem:$0x1FDA0]  }
0xee: {  	v0 =	vsub.f32 v0, v1  }
0xef: {  	v32 =	vld [tilespmem:$0x1FDB0]  }
0xf0: {  	v0 =	vsub.f32 v0, v19  }
0xf1: {  	v33 =	vld [tilespmem:$0x1FDC0]  }
0xf2: {  	v0 =	vsub.f32 v0, v23  }
0xf3: {  	v35 =	vld [tilespmem:$0x1FDD0]  }
0xf4: {  	v0 =	vsub.f32 v0, v32  }
0xf5: {  	v36 =	vld [tilespmem:$0x1FDE0]  }
0xf6: {  	v0 =	vsub.f32 v0, v33  }
0xf7: {  	v37 =	vld [tilespmem:$0x1FDF0]  }
0xf8: {  	v0 =	vsub.f32 v0, v35  }
0xf9: {  	v38 =	vld [tilespmem:$0x1FE00]  }
0xfa: {  	v0 =	vsub.f32 v0, v36  }
0xfb: {  	v42 =	vld [tilespmem:$0x1FE10]  }
0xfc: {  	v0 =	vsub.f32 v0, v37  }
0xfd: {  	v44 =	vld [tilespmem:$0x1FE20]  }
0xfe: {  	v0 =	vsub.f32 v0, v38  }
0xff: {  	v46 =	vld [tilespmem:$0x1FE30]  }
0x100: {  	v0 =	vsub.f32 v0, v42  }
0x101: {  	v47 =	vld [tilespmem:$0x1FE40]  }
0x102: {  	v0 =	vsub.f32 v0, v44  }
0x103: {  	v49 =	vld [tilespmem:$0x1FE50]  }
0x104: {  	v0 =	vsub.f32 v0, v46  }
0x105: {  	v50 =	vld [tilespmem:$0x1FE60]  }
0x106: {  	v0 =	vsub.f32 v0, v47  }
0x107: {  	v51 =	vld [tilespmem:$0x1FE70]  }
0x108: {  	v0 =	vsub.f32 v0, v49  }
0x109: {  	v52 =	vld [tilespmem:$0x1FE80]  }
0x10a: {  	v0 =	vsub.f32 v0, v50  }
0x10b: {  	v54 =	vld [tilespmem:$0x1FE90]  }
0x10c: {  	v0 =	vsub.f32 v0, v51  }
0x10d: {  	v2 =	vld [tilespmem:$0x1FEA0]  }
0x10e: {  	v0 =	vsub.f32 v0, v52  }
0x10f: {  	v5 =	vld [tilespmem:$0x1FEB0]  }
0x110: {  	v0 =	vsub.f32 v0, v54;
	_ =	sdelay $0x1  }
0x111: {  	v56 =	vmul.f32 v41, v41;
	v6 =	vld [tilespmem:$0x1FEC0];
	v3 =	vadd.f32 v34, v25;
	v0 =	vsub.f32 v0, v2  }
0x112: {  	v55 =	vadd.f32 v31, v30;
	v4 =	vadd.f32 v21, v40  }
0x113: {  	v2 =	vadd.f32 v56, v3;
	v0 =	vsub.f32 v0, v5;
	v5 =	vmul.f32 v18, v18  }
0x114: {  	v7 =	vadd.f32 v17, v24;
	v1 =	vadd.f32 v12, v55  }
0x115: {  	v4 =	vadd.f32 v20, v4;
	v3 =	vmul.f32 v53, v8;
	v2 =	vadd.f32 v5, v2;
	v5 =	vld [tilespmem:$0x1FED0]  }
0x116: {  	v1 =	vadd.f32 v39, v1;
	v0 =	vsub.f32 v0, v6;
	v6 =	vmul.f32 v45, v45  }
0x117: {  	v4 =	vadd.f32 v26, v4;
	v8 =	vmul.f32 v48, v48;
	v3 =	vsub.f32 v3, v9  }
0x118: {  	v1 =	vadd.f32 v6, v1;
	v6 =	vadd.f32 v28, v7  }
0x119: {  	v3 =	vmul.f32 v3, v3;
	v7 =	vmul.f32 v22, v22;
	v2 =	vadd.f32 v8, v2  }
0x11a: {  	v6 =	vadd.f32 v29, v6;
	v0 =	vsub.f32 v0, v5;
	v5 =	vmul.f32 v43, v43  }
0x11b: {  	v1 =	vadd.f32 v7, v1;
	v2 =	vadd.f32 v3, v2  }
0x11c: {  	v4 =	vadd.f32 v27, v4;
	v9 =	vld [tilespmem:$0x1FEE0];
	v3 =	vadd.f32 v5, v6  }
0x11d: {  	v7 =	vld [tilespmem:$0x1FEF0];
	v1 =	vadd.f32 v2, v1  }
0x11e: {  	v5 =	vld [tilespmem:$0x1FF00];
	v57 =	vadd.f32 v3, v4  }
0x11f: {  	v3 =	vld [tilespmem:$0x1FF10];
	[tilespmem:s3+$0xFFFFFFF0] =	vst v1  }
0x120: {  	[tilespmem:s3+$0x0] =	vst v57  }
0x121: {  	v1 =	vld [tilespmem:$0x1FF20]  }
0x122: {  	v2 =	vld [tilespmem:$0x1FF30]  }
0x123: {  	s31 =	simm.s32 $0x30;
	v0 =	vsub.f32 v0, v9;
	v4 =	vld [tilespmem:$0x1FF40]  }
0x124: {  	v47 =	vld [tilespmem:s31+$0x0]  }
0x125: {  	v0 =	vsub.f32 v0, v7;
	v6 =	vld [tilespmem:$0x1940]  }
0x126: {  	v7 =	vld [tilespmem:$0x1FF60]  }
0x127: {  	v0 =	vsub.f32 v0, v5;
	v9 =	vld [tilespmem:$0x1B20]  }
0x128: {  	v15 =	vld [tilespmem:$0x1980]  }
0x129: {  	v20 =	vld [tilespmem:$0x19A0];
	v0 =	vsub.f32 v0, v3  }
0x12a: {  	v11 =	vimm.s32 $0x0;
	v21 =	vld [tilespmem:$0x19B0]  }
0x12b: {  	v13 =	vimm.s32 $0x2;
	v16 =	vimm.s32 $0x4;
	v24 =	vld [tilespmem:$0x1B80];
	v0 =	vsub.f32 v0, v1  }
0x12c: {  	v30 =	vimm.s32 $0xB;
	v27 =	vimm.s32 $0xD;
	v19 =	vimm.s32 $0xF;
	v45 =	vld [tilespmem:$0x19E0]  }
0x12d: {  	v18 =	vimm.s32 $0x8;
	v3 =	vld [tilespmem:$0x1920];
	v8 =	vperm.xlane v47, v11;
	v0 =	vsub.f32 v0, v2  }
0x12e: {  	v22 =	vimm.s32 $0x9;
	v41 =	vld [tilespmem:$0x1B50];
	v10 =	vperm.xlane v47, v13;
	v23 =	vperm.xlane v47, v19  }
0x12f: {  	v37 =	vperm.xlane v47, v16;
	v26 =	vperm.xlane v47, v18;
	v0 =	vsub.f32 v0, v4;
	v4 =	vld [tilespmem:$0x1FF50]  }
0x130: {  	v28 =	vimm.s32 $0xA;
	v1 =	vld [tilespmem:$0x1900];
	v51 =	vperm.xlane v47, v27;
	v33 =	vperm.xlane v47, v30  }
0x131: {  	v31 =	vperm.xlane v47, v28;
	v46 =	vperm.xlane v47, v22;
	v2 =	vld [tilespmem:$0x1910]  }
0x132: {  	v25 =	vimm.s32 $0xC;
	v10 =	vmul.f32 v10, v3;
	v52 =	vmul.f32 v33, v21;
	v33 =	vld [tilespmem:$0x1950]  }
0x133: {  	v48 =	vimm.s32 $0x5;
	v42 =	vperm.xlane v47, v25;
	v32 =	vmul.f32 v26, v15;
	v26 =	vld [tilespmem:$0x1990]  }
0x134: {  	v63 =	vmul.f32 v37, v6;
	v37 =	vld [tilespmem:$0x19C0];
	v10 =	vsub.f32 v10, v9;
	v0 =	vsub.f32 v0, v4  }
0x135: {  	v56 =	vperm.xlane v47, v48;
	v59 =	vmul.f32 v31, v20;
	v32 =	vsub.f32 v32, v24;
	v4 =	vld [tilespmem:$0x19F0]  }
0x136: {  	v8 =	vmul.f32 v8, v1;
	v10 =	vmul.f32 v10, v10;
	v0 =	vsub.f32 v0, v7;
	v7 =	vld [tilespmem:$0x1B00]  }
0x137: {  	v58 =	vimm.s32 $0x1;
	v31 =	vld [tilespmem:$0x1B40];
	v44 =	vmul.f32 v32, v32;
	v56 =	vmul.f32 v56, v33  }
0x138: {  	v17 =	vld [tilespmem:$0x1960];
	v53 =	vmul.f32 v46, v26;
	v46 =	vperm.xlane v47, v58;
	[tilespmem:$0x1FC90] =	vst v0  }
0x139: {  	v42 =	vmul.f32 v42, v37;
	v56 =	vsub.f32 v56, v41;
	v0 =	vimm.s32 $0xE;
	v49 =	vld [tilespmem:s31+$0xFFFFFFE0]  }
0x13a: {  	v29 =	vld [tilespmem:$0x1BA0];
	[tilespmem:$0x1FCA0] =	vst v4;
	v36 =	vmul.f32 v23, v4;
	v35 =	vperm.xlane v47, v0;
	v4 =	vimm.s32 $0x6  }
0x13b: {  	s3 =	simm.s32 $0x1010;
	v32 =	vld [tilespmem:$0x1BE0];
	v46 =	vmul.f32 v46, v2;
	v62 =	vperm.xlane v47, v4;
	v8 =	vsub.f32 v8, v7  }
0x13c: {  	v56 =	vmul.f32 v56, v56;
	v38 =	vld [tilespmem:s3+$0x0];
	[tilespmem:$0x1FCB0] =	vst v45;
	v60 =	vmul.f32 v35, v45;
	v45 =	vsub.f32 v63, v31  }
0x13d: {  	v55 =	vmul.f32 v62, v17;
	v8 =	vmul.f32 v8, v8  }
0x13e: {  	v14 =	vimm.s32 $0x3;
	v45 =	vmul.f32 v45, v45;
	v50 =	vperm.xlane v49, v25  }
0x13f: {  	v5 =	vld [tilespmem:$0x1930];
	v40 =	vsub.f32 v59, v29;
	v61 =	vperm.xlane v49, v58;
	v57 =	vperm.xlane v49, v13  }
0x140: {  	v58 =	vsub.f32 v60, v32;
	v59 =	vperm.xlane v49, v14;
	v60 =	vperm.xlane v47, v14  }
0x141: {  	v35 =	vld [tilespmem:$0x1B60];
	v25 =	vimm.s32 $0x7;
	v13 =	vperm.xlane v49, v48;
	v18 =	vperm.xlane v49, v18  }
0x142: {  	v39 =	vld [tilespmem:$0x1B30];
	v22 =	vperm.xlane v49, v22;
	v54 =	vperm.xlane v49, v25  }
0x143: {  	v47 =	vperm.xlane v47, v25;
	v43 =	vmul.f32 v61, v2  }
0x144: {  	v14 =	vmul.f32 v60, v5;
	v59 =	vmul.f32 v59, v5  }
0x145: {  	v8 =	vadd.f32 v8, v38;
	v38 =	vld [tilespmem:$0x1B10];
	v61 =	vperm.xlane v49, v11;
	v60 =	vmul.f32 v13, v33  }
0x146: {  	v55 =	vsub.f32 v55, v35;
	v57 =	vmul.f32 v57, v3;
	v58 =	vmul.f32 v58, v58  }
0x147: {  	v8 =	vadd.f32 v10, v8;
	v10 =	vmul.f32 v40, v40;
	v40 =	vld [tilespmem:$0x1BC0];
	v63 =	vsub.f32 v14, v39  }
0x148: {  	v50 =	vmul.f32 v50, v37;
	v59 =	vsub.f32 v59, v39;
	v60 =	vsub.f32 v60, v41  }
0x149: {  	v55 =	vmul.f32 v55, v55;
	v57 =	vsub.f32 v57, v9;
	v8 =	vadd.f32 v45, v8  }
0x14a: {  	[tilespmem:$0x1FCD0] =	vst v5;
	v5 =	vimm.s32 $0x6;
	v43 =	vsub.f32 v43, v38;
	v46 =	vsub.f32 v46, v38  }
0x14b: {  	v12 =	vmul.f32 v63, v63;
	v59 =	vmul.f32 v59, v59;
	v8 =	vadd.f32 v55, v8  }
0x14c: {  	[tilespmem:$0x1FCC0] =	vst v2;
	v63 =	vmul.f32 v57, v57;
	v23 =	vmul.f32 v43, v43;
	v2 =	vsub.f32 v42, v40  }
0x14d: {  	v46 =	vmul.f32 v46, v46;
	v50 =	vsub.f32 v50, v40;
	v8 =	vadd.f32 v44, v8  }
0x14e: {  	v42 =	vld [tilespmem:$0x1970];
	v45 =	vmul.f32 v2, v2;
	v55 =	vadd.f32 v59, v23;
	v23 =	vmul.f32 v60, v60  }
0x14f: {  	v43 =	vld [tilespmem:$0x1B70];
	v46 =	vadd.f32 v12, v46;
	v2 =	vperm.xlane v49, v4;
	v12 =	vmul.f32 v18, v15  }
0x150: {  	[tilespmem:$0x1FCE0] =	vst v1;
	v44 =	vld [tilespmem:$0x19D0];
	v18 =	vperm.xlane v49, v30;
	v60 =	vperm.xlane v49, v0;
	v30 =	vimm.s32 $0xD  }
0x151: {  	v14 =	vld [tilespmem:s3+$0xFFFFFFF0];
	v8 =	vadd.f32 v10, v8;
	v10 =	vmul.f32 v61, v1;
	v1 =	vperm.xlane v49, v16  }
0x152: {  	v56 =	vadd.f32 v56, v46;
	v46 =	vld [tilespmem:$0x1BD0];
	v55 =	vadd.f32 v23, v55;
	v23 =	vperm.xlane v49, v28  }
0x153: {  	v48 =	vadd.f32 v45, v8;
	v45 =	vld [tilespmem:$0x1B90];
	v54 =	vmul.f32 v54, v42;
	v10 =	vsub.f32 v10, v7  }
0x154: {  	v57 =	vsub.f32 v12, v24;
	v13 =	vmul.f32 v1, v6;
	v8 =	vmul.f32 v2, v17  }
0x155: {  	v51 =	vmul.f32 v51, v44;
	v54 =	vsub.f32 v54, v43;
	v10 =	vmul.f32 v10, v10  }
0x156: {  	[tilespmem:$0x1FD20] =	vst v15;
	v28 =	vimm.s32 $0xF;
	v15 =	vsub.f32 v13, v31;
	v8 =	vsub.f32 v8, v35  }
0x157: {  	v47 =	vmul.f32 v47, v42;
	v10 =	vadd.f32 v10, v14;
	v51 =	vsub.f32 v51, v46  }
0x158: {  	v34 =	vmul.f32 v54, v54;
	v14 =	vmul.f32 v22, v26;
	v62 =	vsub.f32 v53, v45  }
0x159: {  	v54 =	vmul.f32 v57, v57;
	v10 =	vadd.f32 v63, v10;
	v63 =	vsub.f32 v47, v43;
	v47 =	vld [tilespmem:$0x1BB0]  }
0x15a: {  	v53 =	vadd.f32 v58, v48;
	v58 =	vmul.f32 v15, v15;
	v51 =	vmul.f32 v51, v51  }
0x15b: {  	[tilespmem:$0x1FD40] =	vst v17;
	v17 =	vadd.f32 v34, v55;
	v61 =	vsub.f32 v14, v45;
	v34 =	vmul.f32 v18, v21  }
0x15c: {  	[tilespmem:$0x1FCF0] =	vst v7;
	v7 =	vimm.s32 $0x7;
	v55 =	vmul.f32 v8, v8;
	v16 =	vmul.f32 v63, v63  }
0x15d: {  	v48 =	vld [tilespmem:$0x1BF0];
	v62 =	vmul.f32 v62, v62;
	v59 =	vadd.f32 v58, v10;
	v10 =	vmul.f32 v61, v61  }
0x15e: {  	v22 =	vadd.f32 v16, v56;
	v56 =	vmul.f32 v23, v20;
	v8 =	vsub.f32 v34, v47  }
0x15f: {  	[tilespmem:$0x1FD00] =	vst v3;
	v61 =	vadd.f32 v10, v17;
	v10 =	vsub.f32 v52, v47;
	v34 =	vimm.s32 $0xA  }
0x160: {  	[tilespmem:$0x1FD10] =	vst v9;
	v56 =	vsub.f32 v56, v29;
	v62 =	vadd.f32 v62, v22;
	v58 =	vmul.f32 v8, v8  }
0x161: {  	[tilespmem:$0x1FD30] =	vst v6;
	v8 =	vperm.xlane v49, v27;
	v10 =	vmul.f32 v10, v10;
	v27 =	vimm.s32 $0x0  }
0x162: {  	[tilespmem:$0x1FD50] =	vst v21;
	v57 =	vmul.f32 v56, v56;
	v56 =	vmul.f32 v50, v50;
	v50 =	vsub.f32 v36, v48  }
0x163: {  	s5 =	simm.s32 $0x0;
	s6 =	simm.s32 $0x70;
	s4 =	simm.s32 $0x1010;
	[tilespmem:$0x1FD60] =	vst v20;
	v36 =	vimm.s32 $0xB;
	v63 =	vmul.f32 v8, v44;
	v8 =	vperm.xlane v49, v19  }
.LBB2_3:
0x164: {  	v0 =	vld [tilespmem:$0x1FCA0]  }
0x165: {  	v1 =	vld [tilespmem:$0x1FCB0]  }
0x166: {  	v52 =	vld [tilespmem:s6+$0x0];
	v50 =	vmul.f32 v50, v50  }
0x167: {  	v13 =	vimm.s32 $0x2;
	v63 =	vsub.f32 v63, v46;
	v55 =	vadd.f32 v55, v59  }
0x168: {  	v49 =	vld [tilespmem:s6+$0xFFFFFFE0];
	v12 =	vimm.s32 $0x8;
	v11 =	vimm.s32 $0xC;
	v10 =	vadd.f32 v10, v62  }
0x169: {  	v4 =	vld [tilespmem:$0x1FD00];
	v58 =	vadd.f32 v58, v61;
	v23 =	vmul.f32 v63, v63;
	v63 =	vadd.f32 v54, v55  }
0x16a: {  	v10 =	vadd.f32 v51, v10;
	v8 =	vmul.f32 v8, v0;
	v22 =	vmul.f32 v60, v1  }
0x16b: {  	v15 =	vld [tilespmem:$0x1FD10];
	v16 =	vperm.xlane v52, v27;
	v17 =	vperm.xlane v52, v13;
	v51 =	vadd.f32 v57, v63  }
0x16c: {  	v18 =	vperm.xlane v52, v28;
	v10 =	vadd.f32 v50, v10;
	v14 =	vperm.xlane v52, v34  }
0x16d: {  	v62 =	vperm.xlane v52, v11;
	v13 =	vperm.xlane v49, v13;
	v2 =	vsub.f32 v22, v32  }
0x16e: {  	v8 =	vsub.f32 v8, v48;
	v59 =	vmul.f32 v17, v4;
	v20 =	vmul.f32 v18, v0  }
0x16f: {  	v22 =	vperm.xlane v52, v12;
	v10 =	vadd.f32 v10, v53;
	v54 =	vmul.f32 v2, v2;
	v2 =	vld [tilespmem:$0x1FCE0]  }
0x170: {  	v53 =	vperm.xlane v49, v11;
	v17 =	vld [tilespmem:$0x1FD20];
	v18 =	vperm.xlane v52, v36;
	v21 =	vsub.f32 v59, v15  }
0x171: {  	v9 =	vld [tilespmem:$0x1FCF0];
	v58 =	vadd.f32 v23, v58;
	v13 =	vmul.f32 v13, v4;
	v8 =	vmul.f32 v8, v8  }
0x172: {  	v51 =	vadd.f32 v56, v51;
	v59 =	vperm.xlane v52, v30;
	v57 =	vmul.f32 v21, v21;
	v21 =	vld [tilespmem:$0x1FD60]  }
0x173: {  	v50 =	vsub.f32 v20, v48;
	v10 =	vmul.f32 $5.000000000e-01, v10;
	v20 =	vperm.xlane v49, v7  }
0x174: {  	s3 =	sadd.s32 $0x20, s3;
	v8 =	vadd.f32 v8, v58;
	v51 =	vadd.f32 v54, v51;
	v55 =	vmul.f32 v16, v2  }
0x175: {  	v13 =	vsub.f32 v13, v15;
	v53 =	vmul.f32 v53, v37;
	v58 =	vld [tilespmem:s3+$0x0];
	v63 =	vmul.f32 v22, v17  }
0x176: {  	v59 =	vmul.f32 v59, v44;
	v8 =	vadd.f32 v8, v51;
	v19 =	vsub.f32 v55, v9  }
0x177: {  	v54 =	vsub.f32 v63, v24;
	v63 =	vmul.f32 v20, v42;
	v60 =	vmul.f32 v14, v21;
	v14 =	vld [tilespmem:$0x1FC90]  }
0x178: {  	v25 =	vimm.s32 $0x4;
	v13 =	vmul.f32 v13, v13;
	v23 =	vmul.f32 v19, v19  }
0x179: {  	v20 =	vld [tilespmem:$0x1FD40];
	v8 =	vmul.f32 $5.000000000e-01, v8;
	v55 =	vperm.xlane v52, v25;
	v63 =	vsub.f32 v63, v43  }
0x17a: {  	v19 =	vimm.s32 $0x9;
	v60 =	vsub.f32 v60, v29;
	v0 =	vadd.f32 v23, v58;
	v23 =	vld [tilespmem:$0x1FD50]  }
0x17b: {  	v63 =	vmul.f32 v63, v63;
	v58 =	vperm.xlane v52, v19  }
0x17c: {  	v60 =	vmul.f32 v60, v60;
	v10 =	vsub.f32 v14, v10;
	v8 =	vsub.f32 v14, v8  }
0x17d: {  	v3 =	vld [tilespmem:$0x1FCC0];
	v14 =	vperm.xlane v52, v5;
	v56 =	vadd.f32 v57, v0;
	v0 =	vimm.s32 $0xE  }
0x17e: {  	v58 =	vmul.f32 v58, v26;
	v16 =	vperm.xlane v52, v0  }
0x17f: {  	v11 =	vimm.s32 $0x1;
	v14 =	vmul.f32 v14, v20;
	v57 =	vmul.f32 v18, v23  }
0x180: {  	v61 =	vmul.f32 v16, v1;
	v18 =	vperm.xlane v49, v11  }
0x181: {  	[tilespmem:s4+$0x0] =	vst v10;
	v10 =	vmul.f32 v54, v54;
	v1 =	vimm.s32 $0x5;
	v14 =	vsub.f32 v14, v35  }
0x182: {  	v22 =	vperm.xlane v52, v1;
	v54 =	vsub.f32 v61, v32;
	v51 =	vmul.f32 v18, v3  }
0x183: {  	v61 =	vperm.xlane v52, v11;
	v11 =	vperm.xlane v49, v12;
	v18 =	vimm.s32 $0x3  }
0x184: {  	v6 =	vld [tilespmem:$0x1FCD0];
	[tilespmem:s4+$0xFFFFFFF0] =	vst v8;
	v14 =	vmul.f32 v14, v14;
	v8 =	vperm.xlane v49, v18  }
0x185: {  	v18 =	vperm.xlane v52, v18;
	v12 =	vmul.f32 v22, v33  }
0x186: {  	v22 =	vsub.f32 v57, v47;
	v52 =	vperm.xlane v52, v7;
	v57 =	vmul.f32 v61, v3;
	v3 =	vld [tilespmem:$0x1FD30]  }
0x187: {  	v53 =	vsub.f32 v53, v40;
	v16 =	vmul.f32 v54, v54;
	v54 =	vperm.xlane v49, v19  }
0x188: {  	v59 =	vsub.f32 v59, v46;
	v61 =	vmul.f32 v62, v37;
	v62 =	vperm.xlane v49, v25  }
0x189: {  	v51 =	vsub.f32 v51, v38;
	v11 =	vmul.f32 v11, v17;
	v18 =	vmul.f32 v18, v6  }
0x18a: {  	v58 =	vsub.f32 v58, v45;
	v8 =	vmul.f32 v8, v6;
	v52 =	vmul.f32 v52, v42  }
0x18b: {  	v12 =	vsub.f32 v12, v41;
	v19 =	vmul.f32 v51, v51;
	v55 =	vmul.f32 v55, v3  }
0x18c: {  	v51 =	vmul.f32 v59, v59;
	v59 =	vperm.xlane v49, v5;
	v11 =	vsub.f32 v11, v24  }
0x18d: {  	v57 =	vsub.f32 v57, v38;
	v25 =	vmul.f32 v54, v26;
	v55 =	vsub.f32 v55, v31  }
0x18e: {  	v61 =	vsub.f32 v61, v40;
	v8 =	vsub.f32 v8, v39;
	v12 =	vmul.f32 v12, v12  }
0x18f: {  	v18 =	vsub.f32 v18, v39;
	v59 =	vmul.f32 v59, v20;
	v55 =	vmul.f32 v55, v55  }
0x190: {  	v52 =	vsub.f32 v52, v43;
	v54 =	vmul.f32 v11, v11;
	v8 =	vmul.f32 v8, v8  }
0x191: {  	v62 =	vmul.f32 v62, v3;
	v11 =	vadd.f32 v55, v56;
	v56 =	vmul.f32 v57, v57  }
0x192: {  	v8 =	vadd.f32 v8, v19;
	v57 =	vperm.xlane v49, v1;
	v1 =	vperm.xlane v49, v36  }
0x193: {  	v18 =	vmul.f32 v18, v18;
	v55 =	vsub.f32 v59, v35;
	v11 =	vadd.f32 v14, v11  }
0x194: {  	v14 =	vsub.f32 v25, v45;
	v25 =	vperm.xlane v49, v27;
	v59 =	vmul.f32 v1, v23  }
0x195: {  	v55 =	vmul.f32 v55, v55;
	v1 =	vsub.f32 v62, v31;
	v10 =	vadd.f32 v10, v11  }
0x196: {  	v57 =	vmul.f32 v57, v33;
	v18 =	vadd.f32 v18, v56;
	v62 =	vmul.f32 v58, v58  }
0x197: {  	v11 =	vmul.f32 v61, v61;
	v25 =	vmul.f32 v25, v2;
	v10 =	vadd.f32 v60, v10  }
0x198: {  	v23 =	vld [tilespmem:s3+$0xFFFFFFF0];
	v56 =	vmul.f32 v53, v53;
	v2 =	vperm.xlane v49, v34;
	v57 =	vsub.f32 v57, v41  }
0x199: {  	v10 =	vadd.f32 v11, v10;
	v11 =	vsub.f32 v25, v9;
	v25 =	vmul.f32 v1, v1  }
0x19a: {  	v59 =	vsub.f32 v59, v47;
	v1 =	vmul.f32 v2, v21;
	v2 =	vmul.f32 v57, v57  }
0x19b: {  	s5 =	sadd.s32 $0x2, s5;
	v12 =	vadd.f32 v12, v18;
	v14 =	vmul.f32 v14, v14;
	v11 =	vmul.f32 v11, v11  }
0x19c: {  	p0 =	slt.u32 s5, $0x7E;
	v58 =	vmul.f32 v59, v59;
	v60 =	vperm.xlane v49, v0;
	v8 =	vadd.f32 v2, v8  }
.Ltmp1:
0x19d: {  	v15 =	vsub.f32 v1, v29;
	v11 =	vadd.f32 v11, v23;
	v23 =	vmul.f32 v52, v52;
	(pc) =	sbr.rel @p0 .LBB2_3-.Ltmp1, $4  }
0x19e: {  	v21 =	vperm.xlane v49, v30;
	v53 =	vadd.f32 v16, v10;
	v10 =	vadd.f32 v63, v8  }
0x19f: {  	v57 =	vmul.f32 v15, v15;
	v11 =	vadd.f32 v13, v11;
	v12 =	vadd.f32 v23, v12  }
0x1a0: {  	v63 =	vmul.f32 v21, v44;
	v8 =	vperm.xlane v49, v28;
	v61 =	vadd.f32 v14, v10  }
0x1a1: {  	s6 =	sadd.s32 $0x40, s6;
	s4 =	smov.u32 s3;
	v10 =	vmul.f32 v22, v22;
	v59 =	vadd.f32 v25, v11;
	v62 =	vadd.f32 v62, v12  }
0x1a2: {  	v0 =	vld [tilespmem:$0x1FCA0]  }
0x1a3: {  	v4 =	vadd.f32 v58, v61;
	v58 =	vld [tilespmem:$0x1FCB0];
	_ =	sdelay $0x1  }
0x1a4: {  	v1 =	vadd.f32 v55, v59;
	_ =	sdelay $0x1  }
0x1a5: {  	v2 =	vsub.f32 v63, v46;
	v1 =	vadd.f32 v54, v1  }
0x1a6: {  	v3 =	vmul.f32 v8, v0;
	v5 =	vmul.f32 v60, v58  }
0x1a7: {  	v6 =	vadd.f32 v10, v62;
	v2 =	vmul.f32 v2, v2;
	v1 =	vadd.f32 v57, v1  }
0x1a8: {  	v3 =	vsub.f32 v3, v48;
	v5 =	vsub.f32 v5, v32  }
0x1a9: {  	v7 =	vmul.f32 v50, v50;
	v6 =	vadd.f32 v51, v6;
	v2 =	vadd.f32 v2, v4  }
0x1aa: {  	v1 =	vadd.f32 v56, v1;
	v3 =	vmul.f32 v3, v3;
	v59 =	vmul.f32 v5, v5  }
0x1ab: {  	v60 =	vadd.f32 v7, v6  }
0x1ac: {  	v63 =	vld [tilespmem:$0x1FC90];
	v2 =	vadd.f32 v3, v2;
	v1 =	vadd.f32 v59, v1  }
0x1ad: {  	v61 =	vadd.f32 v60, v53  }
0x1ae: {  	v1 =	vadd.f32 v2, v1  }
0x1af: {  	v62 =	vmul.f32 $5.000000000e-01, v61  }
0x1b0: {  	v1 =	vmul.f32 $5.000000000e-01, v1  }
0x1b1: {  	v2 =	vsub.f32 v63, v62  }
0x1b2: {  	v0 =	vsub.f32 v63, v1  }
0x1b3: {  	s3 =	sshll.u32 s1, $0x8;
	s29 =	simm.s32 $0x0;
	[tilespmem:s4+$0x0] =	vst v2  }
0x1b4: {  	s30 =	simm.s32 $0x1000;
	s31 =	simm.s32 $0x1;
	s2 =	sadd.s32 s2, s3;
	[tilespmem:s4+$0xFFFFFFF0] =	vst v0  }
0x1b5: {  	[hbm4b:s2+s29] =	stream.linear.scatter [tilespmem:s30], [sflag:$0x1], $0x800, $0x38;
	[tilespmem:$0x1C00] =	vst v63  }
0x1b6: {  	_ =	swait.ge [sflag:s31], $0x800  }
0x1b7: {  	[sflag:s31] =	ssyncset.done $0x0  }
0x1b8: {  	[sflag:s31] =	ssyncadd.s32 $0xFFFFF800  }
0x1b9: {  	_ =	sfence.sel $0x180000  }
0x1ba: {  	[bflag:$0x0] =	sbarrier.arrive $0xFFFF  }
0x1bb: {  	p0 =	sne.s32 s1, $0x0;
	_ =	strace $0x90000047  }
0x1bc: {  	s0 =	sadd.s32 @!p0 $0x100000, s0;
	[bflag:$0x2] =	sbarrier.arrive $0xFFFF  }
0x1bd: {  	[sflag:s0] =	ssyncadd.tile.s32 @!p0 $0x1;
	_ =	shalt  }
.Lfunc_end2:
_tile_overlayer_lowered:
.L_overlay_start_2:
0x1be: {  	(tag) =	ssettag $0x2  }
0x1bf: {  	s0 =	rddreg [dreg:$0x0];
	s2 =	stileid.u32  }
0x1c0: {  	s1 =	rddreg [dreg:$0x1];
	p0 =	sne.s32 s2, $0x0  }
0x1c1: {  	s3 =	rddreg [dreg:$0x2];
	[bflag:$0x3] =	sbarrier.arrive $0xFFFF;
	s2 =	simm.s32 @!p0 $0x1C01  }
0x1c2: {  	[timem:s3], [sflag:s2] =	dma.local @!p0 [hbm:s0], s1  }
0x1c3: {  	s0 =	simm.s32 @!p0 $0x1  }
0x1c4: {  	_ =	swait.ge @!p0 [sflag:s0], s1  }
0x1c5: {  	s1 =	ssub.s32 @!p0 $0x0, s1;
	[sflag:s0] =	ssyncset.done @!p0 $0x0  }
0x1c6: {  	[sflag:s0] =	ssyncadd.s32 @!p0 s1  }
0x1c7: {  	[bflag:$0x3] =	sbarrier.arrive $0xFFFF  }
0x1c8: {  	_ =	shalt  }

</sc_bundles>
